<compile_context>
chip_gen: v7x
topology: tpu7x:2x2x1
jax: 0.10.2.dev20260603
libtpu: 0.0.44.dev20260713+nightly
codegen_flags: <defaults>
</compile_context>

<pallas_src>
import functools

import jax
import jax.numpy as jnp
from jax import lax
from jax.experimental import pallas as pl
from jax.experimental.pallas import tpu as pltpu
from jax.experimental.pallas import tpu_sc as plsc

N = 128
M = 100000
B = 16384

CHUNK = 8192
GRID = (M + CHUNK - 1) // CHUNK

KCH = 128


def _stats_transpose_body(w_ref, wt_ref, logz_ref, m_ref, s_ref):
    i = pl.program_id(0)
    x = w_ref[...]
    xt = x.T
    row = i * CHUNK + lax.broadcasted_iota(jnp.int32, (CHUNK, N), 0)
    xt = jnp.where(row < M, xt, -jnp.inf)
    wt_ref[...] = xt

    @pl.when(i == 0)
    def _():
        m_ref[...] = jnp.full((1, N), -jnp.inf, jnp.float32)
        s_ref[...] = jnp.zeros((1, N), jnp.float32)

    cmax = jnp.max(xt, axis=0, keepdims=True)
    m_old = m_ref[...]
    m_new = jnp.maximum(m_old, cmax)
    s_new = (s_ref[...] * jnp.exp(m_old - m_new)
             + jnp.sum(jnp.exp(xt - m_new), axis=0, keepdims=True))
    m_ref[...] = m_new
    s_ref[...] = s_new

    @pl.when(i == GRID - 1)
    def _():
        logz_ref[...] = m_new + jnp.log(s_new)


def _make_sc_gather(nw, b_per_w):
    nch = b_per_w // KCH
    mesh = plsc.VectorSubcoreMesh(core_axis_name="c", subcore_axis_name="s")
    nc = plsc.get_sparse_core_info().num_cores

    @functools.partial(
        pl.kernel,
        mesh=mesh,
        out_type=jax.ShapeDtypeStruct((B, N), jnp.float32),
        scratch_types=[
            pltpu.VMEM((nch, KCH), jnp.int32),
            pltpu.VMEM((b_per_w, N), jnp.float32),
            pltpu.VMEM((1, N), jnp.float32),
        ] + [pltpu.SemaphoreType.DMA] * 4,
    )
    def _gather(table_hbm, idx_hbm, logz_hbm, out_hbm,
                idx_v, rows_v, logz_v, s0, s1, s2, s3):
        sems = (s0, s1, s2, s3)
        wid = lax.axis_index("s") * nc + lax.axis_index("c")
        base = wid * b_per_w
        pltpu.sync_copy(idx_hbm.at[wid], idx_v)
        pltpu.sync_copy(logz_hbm, logz_v)
        copies = [
            pltpu.async_copy(table_hbm.at[idx_v.at[j]],
                             rows_v.at[pl.ds(j * KCH, KCH)], sems[j])
            for j in range(nch)
        ]

        lz = [logz_v[0, pl.ds(c * 16, 16)] for c in range(N // 16)]

        def sub_row(r, carry):
            for c in range(N // 16):
                rows_v[r, pl.ds(c * 16, 16)] = (
                    rows_v[r, pl.ds(c * 16, 16)] - lz[c])
            return carry

        for j in range(nch):
            copies[j].wait()
            lax.fori_loop(j * KCH, (j + 1) * KCH, sub_row, 0)

        pltpu.sync_copy(rows_v, out_hbm.at[pl.ds(base, b_per_w)])

    return _gather


def kernel(obervation_raw, W):
    info = plsc.get_sparse_core_info()
    nw = info.num_cores * info.num_subcores
    b_per_w = B // nw

    wt, logz = pl.pallas_call(
        _stats_transpose_body,
        grid=(GRID,),
        in_specs=[pl.BlockSpec((N, CHUNK), lambda i: (0, i))],
        out_specs=[
            pl.BlockSpec((CHUNK, N), lambda i: (i, 0)),
            pl.BlockSpec((1, N), lambda i: (0, 0)),
        ],
        out_shape=[
            jax.ShapeDtypeStruct((M, N), jnp.float32),
            jax.ShapeDtypeStruct((1, N), jnp.float32),
        ],
        scratch_shapes=[
            pltpu.VMEM((1, N), jnp.float32),
            pltpu.VMEM((1, N), jnp.float32),
        ],
    )(W)

    obs3 = obervation_raw.astype(jnp.int32).reshape(nw, b_per_w // KCH, KCH)
    out = _make_sc_gather(nw, b_per_w)(wt, obs3, logz)
    return out

# --- scband reference (transcript-rebuilt; emitter-appended) ---
"""Pipeline reference for scband-emission-model-20418274526006 (READ-ONLY COPY).

The authoritative reference and input builder live on the scoring server;
editing this copy changes nothing except your own understanding.
"""

import jax, jax.numpy as jnp
import numpy as np

N = 128      # number of hidden states
M = 100000   # observation vocabulary size
B = 16384    # number of observations in the batch


def setup_inputs(seed: int = 0) -> dict:
    key = jax.random.key(seed)
    k_obs, k_w = jax.random.split(key)
    obervation_raw = jax.random.randint(k_obs, (B,), 0, M, dtype=jnp.int64) if jax.config.jax_enable_x64 else jax.random.randint(k_obs, (B,), 0, M, dtype=jnp.int32)
    W = jax.random.normal(k_w, (N, M), dtype=jnp.float32)  # unnormalized_emission_matrix
    return {"obervation_raw": obervation_raw, "W": W}


def reference(obervation_raw, W):
    # log_softmax over the observation dimension (dim=1), matching
    # torch.nn.functional.log_softmax(self.unnormalized_emission_matrix, dim=1)
    log_emission_matrix = jax.nn.log_softmax(W, axis=1)
    # column gather: log_emission_matrix[:, obs] -> [N, B], then transpose -> [B, N]
    out = jnp.take(log_emission_matrix, obervation_raw, axis=1).T
    return out

if __name__ == "__main__":
    import jax
    _d = setup_inputs()
    print(jax.jit(kernel)(*tuple(_d.values())))

</pallas_src>

<mosaic_0001>
#map = affine_map<(d0, d1) -> (0, 0)>
#map1 = affine_map<(d0, d1) -> (0, 0, 0)>
module attributes {stable_mosaic.version = 14 : i64} {
  func.func @_gather(%arg0: i32, %arg1: i32, %arg2: memref<100000x128xf32, #tpu.memory_space<hbm>>, %arg3: memref<32x4x128xi32, #tpu.memory_space<hbm>>, %arg4: memref<1x128xf32, #tpu.memory_space<hbm>>, %arg5: memref<16384x128xf32, #tpu.memory_space<hbm>>, %arg6: memref<4x128xi32, #tpu.memory_space<vmem>>, %arg7: memref<512x128xf32, #tpu.memory_space<vmem>>, %arg8: memref<1x128xf32, #tpu.memory_space<vmem>>, %arg9: memref<!tpu.dma_semaphore, #tpu.memory_space<semaphore_mem>>, %arg10: memref<!tpu.dma_semaphore, #tpu.memory_space<semaphore_mem>>, %arg11: memref<!tpu.dma_semaphore, #tpu.memory_space<semaphore_mem>>, %arg12: memref<!tpu.dma_semaphore, #tpu.memory_space<semaphore_mem>>) attributes {dimension_semantics = [#tpu.dimension_semantics<core_parallel>, #tpu.dimension_semantics<subcore_parallel>], iteration_bounds = array<i64: 2, 16>, scalar_prefetch = 0 : i64, scratch_operands = 7 : i64, tpu.core_type = #tpu.core_type<sc_vector_subcore>, window_params = [{transform_indices = #map}, {transform_indices = #map1}, {transform_indices = #map}, {transform_indices = #map}]} {
    %mul3A = arith.constant 2 : i32
    %mul3A_0 = arith.muli %arg1, %mul3A : i32
    %add3A = arith.addi %mul3A_0, %arg0 : i32
    %mul3A_1 = arith.constant 512 : i32
    %mul3A_2 = arith.muli %add3A, %mul3A_1 : i32
    "tpu.region"() ({
      %run_scoped3A = tpu.sem_alloc : memref<!tpu.dma_semaphore, #tpu.memory_space<semaphore_mem>>
      %dma_start3A_143 = arith.constant 0 : i32
      %dma_start3A_144 = arith.constant 0 : i32
      %dma_start3A_145 = tpu.memref_slice %arg3[%add3A, %dma_start3A_143, %dma_start3A_144] : memref<32x4x128xi32, #tpu.memory_space<hbm>> -> memref<1x4x128xi32, #tpu.memory_space<hbm>>
      %dma_start3A_146 = tpu.memref_squeeze %dma_start3A_145 : memref<1x4x128xi32, #tpu.memory_space<hbm>> -> memref<4x128xi32, #tpu.memory_space<hbm>>
      %dma_start3A_147 = arith.constant 0 : i32
      %dma_start3A_148 = arith.constant 0 : i32
      %dma_start3A_149 = tpu.memref_slice %arg3[%add3A, %dma_start3A_147, %dma_start3A_148] : memref<32x4x128xi32, #tpu.memory_space<hbm>> -> memref<1x4x128xi32, #tpu.memory_space<hbm>>
      %dma_start3A_150 = tpu.memref_squeeze %dma_start3A_149 : memref<1x4x128xi32, #tpu.memory_space<hbm>> -> memref<4x128xi32, #tpu.memory_space<hbm>>
      tpu.enqueue_dma source(%dma_start3A_150 : memref<4x128xi32, #tpu.memory_space<hbm>>) target(%arg6 : memref<4x128xi32, #tpu.memory_space<vmem>>) target_semaphore(%run_scoped3A : memref<!tpu.dma_semaphore, #tpu.memory_space<semaphore_mem>>)
      %dma_wait3A_151 = arith.constant 0 : i32
      %dma_wait3A_152 = arith.constant 0 : i32
      %dma_wait3A_153 = tpu.memref_slice %arg3[%add3A, %dma_wait3A_151, %dma_wait3A_152] : memref<32x4x128xi32, #tpu.memory_space<hbm>> -> memref<1x4x128xi32, #tpu.memory_space<hbm>>
      %dma_wait3A_154 = tpu.memref_squeeze %dma_wait3A_153 : memref<1x4x128xi32, #tpu.memory_space<hbm>> -> memref<4x128xi32, #tpu.memory_space<hbm>>
      %dma_wait3A_155 = arith.constant 0 : i32
      %dma_wait3A_156 = arith.constant 0 : i32
      %dma_wait3A_157 = tpu.memref_slice %arg3[%add3A, %dma_wait3A_155, %dma_wait3A_156] : memref<32x4x128xi32, #tpu.memory_space<hbm>> -> memref<1x4x128xi32, #tpu.memory_space<hbm>>
      %dma_wait3A_158 = tpu.memref_squeeze %dma_wait3A_157 : memref<1x4x128xi32, #tpu.memory_space<hbm>> -> memref<4x128xi32, #tpu.memory_space<hbm>>
      tpu.wait_dma2 semaphore(%run_scoped3A : memref<!tpu.dma_semaphore, #tpu.memory_space<semaphore_mem>>) src(%dma_wait3A_158 : memref<4x128xi32, #tpu.memory_space<hbm>>) dst(%arg6 : memref<4x128xi32, #tpu.memory_space<vmem>>)
      tpu.yield
    }) : () -> ()
    "tpu.region"() ({
      %run_scoped3A = tpu.sem_alloc : memref<!tpu.dma_semaphore, #tpu.memory_space<semaphore_mem>>
      tpu.enqueue_dma source(%arg4 : memref<1x128xf32, #tpu.memory_space<hbm>>) target(%arg8 : memref<1x128xf32, #tpu.memory_space<vmem>>) target_semaphore(%run_scoped3A : memref<!tpu.dma_semaphore, #tpu.memory_space<semaphore_mem>>)
      tpu.wait_dma2 semaphore(%run_scoped3A : memref<!tpu.dma_semaphore, #tpu.memory_space<semaphore_mem>>) src(%arg4 : memref<1x128xf32, #tpu.memory_space<hbm>>) dst(%arg8 : memref<1x128xf32, #tpu.memory_space<vmem>>)
      tpu.yield
    }) : () -> ()
    %dma_start3A = arith.constant 0 : i32
    %dma_start3A_3 = arith.constant 0 : i32
    %dma_start3A_4 = arith.constant 0 : i32
    %dma_start3A_5 = tpu.memref_slice %arg7[%dma_start3A_3, %dma_start3A_4] : memref<512x128xf32, #tpu.memory_space<vmem>> -> memref<128x128xf32, #tpu.memory_space<vmem>>
    %dma_start3A_6 = arith.constant 0 : i32
    %dma_start3A_7 = tpu.memref_slice %arg6[%dma_start3A, %dma_start3A_6] : memref<4x128xi32, #tpu.memory_space<vmem>> -> memref<1x128xi32, #tpu.memory_space<vmem>>
    %dma_start3A_8 = tpu.memref_squeeze %dma_start3A_7 : memref<1x128xi32, #tpu.memory_space<vmem>> -> memref<128xi32, #tpu.memory_space<vmem>>
    %dma_start3A_9 = arith.constant 0 : i32
    %dma_start3A_10 = arith.constant 0 : i32
    %dma_start3A_11 = tpu.memref_slice %arg2[%dma_start3A_9, %dma_start3A_10] : memref<100000x128xf32, #tpu.memory_space<hbm>> -> memref<100000x128xf32, #tpu.memory_space<hbm>>
    tpu.enqueue_indirect_dma source(%dma_start3A_11 : memref<100000x128xf32, #tpu.memory_space<hbm>>) target(%dma_start3A_5 : memref<128x128xf32, #tpu.memory_space<vmem>>) offsets(%dma_start3A_8 : memref<128xi32, #tpu.memory_space<vmem>>) semaphore(%arg9 : memref<!tpu.dma_semaphore, #tpu.memory_space<semaphore_mem>>)
    %dma_start3A_12 = arith.constant 1 : i32
    %dma_start3A_13 = arith.constant 128 : i32
    %dma_start3A_14 = arith.constant 0 : i32
    %dma_start3A_15 = tpu.memref_slice %arg7[%dma_start3A_13, %dma_start3A_14] : memref<512x128xf32, #tpu.memory_space<vmem>> -> memref<128x128xf32, #tpu.memory_space<vmem>>
    %dma_start3A_16 = arith.constant 0 : i32
    %dma_start3A_17 = tpu.memref_slice %arg6[%dma_start3A_12, %dma_start3A_16] : memref<4x128xi32, #tpu.memory_space<vmem>> -> memref<1x128xi32, #tpu.memory_space<vmem>>
    %dma_start3A_18 = tpu.memref_squeeze %dma_start3A_17 : memref<1x128xi32, #tpu.memory_space<vmem>> -> memref<128xi32, #tpu.memory_space<vmem>>
    %dma_start3A_19 = arith.constant 0 : i32
    %dma_start3A_20 = arith.constant 0 : i32
    %dma_start3A_21 = tpu.memref_slice %arg2[%dma_start3A_19, %dma_start3A_20] : memref<100000x128xf32, #tpu.memory_space<hbm>> -> memref<100000x128xf32, #tpu.memory_space<hbm>>
    tpu.enqueue_indirect_dma source(%dma_start3A_21 : memref<100000x128xf32, #tpu.memory_space<hbm>>) target(%dma_start3A_15 : memref<128x128xf32, #tpu.memory_space<vmem>>) offsets(%dma_start3A_18 : memref<128xi32, #tpu.memory_space<vmem>>) semaphore(%arg10 : memref<!tpu.dma_semaphore, #tpu.memory_space<semaphore_mem>>)
    %dma_start3A_22 = arith.constant 2 : i32
    %dma_start3A_23 = arith.constant 256 : i32
    %dma_start3A_24 = arith.constant 0 : i32
    %dma_start3A_25 = tpu.memref_slice %arg7[%dma_start3A_23, %dma_start3A_24] : memref<512x128xf32, #tpu.memory_space<vmem>> -> memref<128x128xf32, #tpu.memory_space<vmem>>
    %dma_start3A_26 = arith.constant 0 : i32
    %dma_start3A_27 = tpu.memref_slice %arg6[%dma_start3A_22, %dma_start3A_26] : memref<4x128xi32, #tpu.memory_space<vmem>> -> memref<1x128xi32, #tpu.memory_space<vmem>>
    %dma_start3A_28 = tpu.memref_squeeze %dma_start3A_27 : memref<1x128xi32, #tpu.memory_space<vmem>> -> memref<128xi32, #tpu.memory_space<vmem>>
    %dma_start3A_29 = arith.constant 0 : i32
    %dma_start3A_30 = arith.constant 0 : i32
    %dma_start3A_31 = tpu.memref_slice %arg2[%dma_start3A_29, %dma_start3A_30] : memref<100000x128xf32, #tpu.memory_space<hbm>> -> memref<100000x128xf32, #tpu.memory_space<hbm>>
    tpu.enqueue_indirect_dma source(%dma_start3A_31 : memref<100000x128xf32, #tpu.memory_space<hbm>>) target(%dma_start3A_25 : memref<128x128xf32, #tpu.memory_space<vmem>>) offsets(%dma_start3A_28 : memref<128xi32, #tpu.memory_space<vmem>>) semaphore(%arg11 : memref<!tpu.dma_semaphore, #tpu.memory_space<semaphore_mem>>)
    %dma_start3A_32 = arith.constant 3 : i32
    %dma_start3A_33 = arith.constant 384 : i32
    %dma_start3A_34 = arith.constant 0 : i32
    %dma_start3A_35 = tpu.memref_slice %arg7[%dma_start3A_33, %dma_start3A_34] : memref<512x128xf32, #tpu.memory_space<vmem>> -> memref<128x128xf32, #tpu.memory_space<vmem>>
    %dma_start3A_36 = arith.constant 0 : i32
    %dma_start3A_37 = tpu.memref_slice %arg6[%dma_start3A_32, %dma_start3A_36] : memref<4x128xi32, #tpu.memory_space<vmem>> -> memref<1x128xi32, #tpu.memory_space<vmem>>
    %dma_start3A_38 = tpu.memref_squeeze %dma_start3A_37 : memref<1x128xi32, #tpu.memory_space<vmem>> -> memref<128xi32, #tpu.memory_space<vmem>>
    %dma_start3A_39 = arith.constant 0 : i32
    %dma_start3A_40 = arith.constant 0 : i32
    %dma_start3A_41 = tpu.memref_slice %arg2[%dma_start3A_39, %dma_start3A_40] : memref<100000x128xf32, #tpu.memory_space<hbm>> -> memref<100000x128xf32, #tpu.memory_space<hbm>>
    tpu.enqueue_indirect_dma source(%dma_start3A_41 : memref<100000x128xf32, #tpu.memory_space<hbm>>) target(%dma_start3A_35 : memref<128x128xf32, #tpu.memory_space<vmem>>) offsets(%dma_start3A_38 : memref<128xi32, #tpu.memory_space<vmem>>) semaphore(%arg12 : memref<!tpu.dma_semaphore, #tpu.memory_space<semaphore_mem>>)
    %get3A = arith.constant 0 : i32
    %get3A_42 = arith.index_cast %get3A : i32 to index
    %get3A_43 = arith.constant 0 : index
    %get3A_44 = tpu.vector_load %arg8[%get3A_42, %get3A_43] {strides = array<i32>} : memref<1x128xf32, #tpu.memory_space<vmem>>, vector<1x16xf32>,
    %get3A_45 = vector.shape_cast %get3A_44 : vector<1x16xf32> to vector<16xf32>
    %get3A_46 = arith.constant 0 : i32
    %get3A_47 = arith.index_cast %get3A_46 : i32 to index
    %get3A_48 = arith.constant 16 : index
    %get3A_49 = tpu.vector_load %arg8[%get3A_47, %get3A_48] {strides = array<i32>} : memref<1x128xf32, #tpu.memory_space<vmem>>, vector<1x16xf32>,
    %get3A_50 = vector.shape_cast %get3A_49 : vector<1x16xf32> to vector<16xf32>
    %get3A_51 = arith.constant 0 : i32
    %get3A_52 = arith.index_cast %get3A_51 : i32 to index
    %get3A_53 = arith.constant 32 : index
    %get3A_54 = tpu.vector_load %arg8[%get3A_52, %get3A_53] {strides = array<i32>} : memref<1x128xf32, #tpu.memory_space<vmem>>, vector<1x16xf32>,
    %get3A_55 = vector.shape_cast %get3A_54 : vector<1x16xf32> to vector<16xf32>
    %get3A_56 = arith.constant 0 : i32
    %get3A_57 = arith.index_cast %get3A_56 : i32 to index
    %get3A_58 = arith.constant 48 : index
    %get3A_59 = tpu.vector_load %arg8[%get3A_57, %get3A_58] {strides = array<i32>} : memref<1x128xf32, #tpu.memory_space<vmem>>, vector<1x16xf32>,
    %get3A_60 = vector.shape_cast %get3A_59 : vector<1x16xf32> to vector<16xf32>
    %get3A_61 = arith.constant 0 : i32
    %get3A_62 = arith.index_cast %get3A_61 : i32 to index
    %get3A_63 = arith.constant 64 : index
    %get3A_64 = tpu.vector_load %arg8[%get3A_62, %get3A_63] {strides = array<i32>} : memref<1x128xf32, #tpu.memory_space<vmem>>, vector<1x16xf32>,
    %get3A_65 = vector.shape_cast %get3A_64 : vector<1x16xf32> to vector<16xf32>
    %get3A_66 = arith.constant 0 : i32
    %get3A_67 = arith.index_cast %get3A_66 : i32 to index
    %get3A_68 = arith.constant 80 : index
    %get3A_69 = tpu.vector_load %arg8[%get3A_67, %get3A_68] {strides = array<i32>} : memref<1x128xf32, #tpu.memory_space<vmem>>, vector<1x16xf32>,
    %get3A_70 = vector.shape_cast %get3A_69 : vector<1x16xf32> to vector<16xf32>
    %get3A_71 = arith.constant 0 : i32
    %get3A_72 = arith.index_cast %get3A_71 : i32 to index
    %get3A_73 = arith.constant 96 : index
    %get3A_74 = tpu.vector_load %arg8[%get3A_72, %get3A_73] {strides = array<i32>} : memref<1x128xf32, #tpu.memory_space<vmem>>, vector<1x16xf32>,
    %get3A_75 = vector.shape_cast %get3A_74 : vector<1x16xf32> to vector<16xf32>
    %get3A_76 = arith.constant 0 : i32
    %get3A_77 = arith.index_cast %get3A_76 : i32 to index
    %get3A_78 = arith.constant 112 : index
    %get3A_79 = tpu.vector_load %arg8[%get3A_77, %get3A_78] {strides = array<i32>} : memref<1x128xf32, #tpu.memory_space<vmem>>, vector<1x16xf32>,
    %get3A_80 = vector.shape_cast %get3A_79 : vector<1x16xf32> to vector<16xf32>
    %dma_wait3A = arith.constant 0 : i32
    %dma_wait3A_81 = arith.constant 0 : i32
    %dma_wait3A_82 = arith.constant 0 : i32
    %dma_wait3A_83 = tpu.memref_slice %arg7[%dma_wait3A_81, %dma_wait3A_82] : memref<512x128xf32, #tpu.memory_space<vmem>> -> memref<128x128xf32, #tpu.memory_space<vmem>>
    %dma_wait3A_84 = arith.constant 0 : i32
    %dma_wait3A_85 = tpu.memref_slice %arg6[%dma_wait3A, %dma_wait3A_84] : memref<4x128xi32, #tpu.memory_space<vmem>> -> memref<1x128xi32, #tpu.memory_space<vmem>>
    %dma_wait3A_86 = tpu.memref_squeeze %dma_wait3A_85 : memref<1x128xi32, #tpu.memory_space<vmem>> -> memref<128xi32, #tpu.memory_space<vmem>>
    %dma_wait3A_87 = arith.constant 0 : i32
    %dma_wait3A_88 = arith.constant 0 : i32
    %dma_wait3A_89 = tpu.memref_slice %arg2[%dma_wait3A_87, %dma_wait3A_88] : memref<100000x128xf32, #tpu.memory_space<hbm>> -> memref<100000x128xf32, #tpu.memory_space<hbm>>
    tpu.wait_indirect_dma semaphore(%arg9 : memref<!tpu.dma_semaphore, #tpu.memory_space<semaphore_mem>>) src(%dma_wait3A_89 : memref<100000x128xf32, #tpu.memory_space<hbm>>) dst(%dma_wait3A_83 : memref<128x128xf32, #tpu.memory_space<vmem>>)
    %scan3A = arith.constant 0 : i32
    %scan3A_90 = arith.constant 0 : i32
    %scan3A_91 = arith.constant 128 : i32
    %scan3A_92 = arith.addi %scan3A_90, %scan3A_91 : i32
    %scan3A_93 = arith.constant 1 : i32
    scf.for %scan3A_143 = %scan3A_90 to %scan3A_92 step %scan3A_93  : i32 {
      %get3A_144 = arith.index_cast %scan3A_143 : i32 to index
      %get3A_145 = arith.constant 0 : index
      %get3A_146 = tpu.vector_load %arg7[%get3A_144, %get3A_145] {strides = array<i32>} : memref<512x128xf32, #tpu.memory_space<vmem>>, vector<1x16xf32>,
      %get3A_147 = vector.shape_cast %get3A_146 : vector<1x16xf32> to vector<16xf32>
      %sub3A = arith.subf %get3A_147, %get3A_45 : vector<16xf32>
      %swap3A = arith.index_cast %scan3A_143 : i32 to index
      %swap3A_148 = arith.constant 0 : index
      %swap3A_149 = tpu.vector_load %arg7[%swap3A, %swap3A_148] {strides = array<i32>} : memref<512x128xf32, #tpu.memory_space<vmem>>, vector<1x16xf32>,
      %swap3A_150 = vector.shape_cast %swap3A_149 : vector<1x16xf32> to vector<16xf32>
      %swap3A_151 = vector.shape_cast %sub3A : vector<16xf32> to vector<1x16xf32>
      tpu.vector_store %arg7[%swap3A, %swap3A_148], %swap3A_151 {strides = array<i32>} : memref<512x128xf32, #tpu.memory_space<vmem>>, vector<1x16xf32>,
      %get3A_152 = arith.index_cast %scan3A_143 : i32 to index
      %get3A_153 = arith.constant 16 : index
      %get3A_154 = tpu.vector_load %arg7[%get3A_152, %get3A_153] {strides = array<i32>} : memref<512x128xf32, #tpu.memory_space<vmem>>, vector<1x16xf32>,
      %get3A_155 = vector.shape_cast %get3A_154 : vector<1x16xf32> to vector<16xf32>
      %sub3A_156 = arith.subf %get3A_155, %get3A_50 : vector<16xf32>
      %swap3A_157 = arith.index_cast %scan3A_143 : i32 to index
      %swap3A_158 = arith.constant 16 : index
      %swap3A_159 = tpu.vector_load %arg7[%swap3A_157, %swap3A_158] {strides = array<i32>} : memref<512x128xf32, #tpu.memory_space<vmem>>, vector<1x16xf32>,
      %swap3A_160 = vector.shape_cast %swap3A_159 : vector<1x16xf32> to vector<16xf32>
      %swap3A_161 = vector.shape_cast %sub3A_156 : vector<16xf32> to vector<1x16xf32>
      tpu.vector_store %arg7[%swap3A_157, %swap3A_158], %swap3A_161 {strides = array<i32>} : memref<512x128xf32, #tpu.memory_space<vmem>>, vector<1x16xf32>,
      %get3A_162 = arith.index_cast %scan3A_143 : i32 to index
      %get3A_163 = arith.constant 32 : index
      %get3A_164 = tpu.vector_load %arg7[%get3A_162, %get3A_163] {strides = array<i32>} : memref<512x128xf32, #tpu.memory_space<vmem>>, vector<1x16xf32>,
      %get3A_165 = vector.shape_cast %get3A_164 : vector<1x16xf32> to vector<16xf32>
      %sub3A_166 = arith.subf %get3A_165, %get3A_55 : vector<16xf32>
      %swap3A_167 = arith.index_cast %scan3A_143 : i32 to index
      %swap3A_168 = arith.constant 32 : index
      %swap3A_169 = tpu.vector_load %arg7[%swap3A_167, %swap3A_168] {strides = array<i32>} : memref<512x128xf32, #tpu.memory_space<vmem>>, vector<1x16xf32>,
      %swap3A_170 = vector.shape_cast %swap3A_169 : vector<1x16xf32> to vector<16xf32>
      %swap3A_171 = vector.shape_cast %sub3A_166 : vector<16xf32> to vector<1x16xf32>
      tpu.vector_store %arg7[%swap3A_167, %swap3A_168], %swap3A_171 {strides = array<i32>} : memref<512x128xf32, #tpu.memory_space<vmem>>, vector<1x16xf32>,
      %get3A_172 = arith.index_cast %scan3A_143 : i32 to index
      %get3A_173 = arith.constant 48 : index
      %get3A_174 = tpu.vector_load %arg7[%get3A_172, %get3A_173] {strides = array<i32>} : memref<512x128xf32, #tpu.memory_space<vmem>>, vector<1x16xf32>,
      %get3A_175 = vector.shape_cast %get3A_174 : vector<1x16xf32> to vector<16xf32>
      %sub3A_176 = arith.subf %get3A_175, %get3A_60 : vector<16xf32>
      %swap3A_177 = arith.index_cast %scan3A_143 : i32 to index
      %swap3A_178 = arith.constant 48 : index
      %swap3A_179 = tpu.vector_load %arg7[%swap3A_177, %swap3A_178] {strides = array<i32>} : memref<512x128xf32, #tpu.memory_space<vmem>>, vector<1x16xf32>,
      %swap3A_180 = vector.shape_cast %swap3A_179 : vector<1x16xf32> to vector<16xf32>
      %swap3A_181 = vector.shape_cast %sub3A_176 : vector<16xf32> to vector<1x16xf32>
      tpu.vector_store %arg7[%swap3A_177, %swap3A_178], %swap3A_181 {strides = array<i32>} : memref<512x128xf32, #tpu.memory_space<vmem>>, vector<1x16xf32>,
      %get3A_182 = arith.index_cast %scan3A_143 : i32 to index
      %get3A_183 = arith.constant 64 : index
      %get3A_184 = tpu.vector_load %arg7[%get3A_182, %get3A_183] {strides = array<i32>} : memref<512x128xf32, #tpu.memory_space<vmem>>, vector<1x16xf32>,
      %get3A_185 = vector.shape_cast %get3A_184 : vector<1x16xf32> to vector<16xf32>
      %sub3A_186 = arith.subf %get3A_185, %get3A_65 : vector<16xf32>
      %swap3A_187 = arith.index_cast %scan3A_143 : i32 to index
      %swap3A_188 = arith.constant 64 : index
      %swap3A_189 = tpu.vector_load %arg7[%swap3A_187, %swap3A_188] {strides = array<i32>} : memref<512x128xf32, #tpu.memory_space<vmem>>, vector<1x16xf32>,
      %swap3A_190 = vector.shape_cast %swap3A_189 : vector<1x16xf32> to vector<16xf32>
      %swap3A_191 = vector.shape_cast %sub3A_186 : vector<16xf32> to vector<1x16xf32>
      tpu.vector_store %arg7[%swap3A_187, %swap3A_188], %swap3A_191 {strides = array<i32>} : memref<512x128xf32, #tpu.memory_space<vmem>>, vector<1x16xf32>,
      %get3A_192 = arith.index_cast %scan3A_143 : i32 to index
      %get3A_193 = arith.constant 80 : index
      %get3A_194 = tpu.vector_load %arg7[%get3A_192, %get3A_193] {strides = array<i32>} : memref<512x128xf32, #tpu.memory_space<vmem>>, vector<1x16xf32>,
      %get3A_195 = vector.shape_cast %get3A_194 : vector<1x16xf32> to vector<16xf32>
      %sub3A_196 = arith.subf %get3A_195, %get3A_70 : vector<16xf32>
      %swap3A_197 = arith.index_cast %scan3A_143 : i32 to index
      %swap3A_198 = arith.constant 80 : index
      %swap3A_199 = tpu.vector_load %arg7[%swap3A_197, %swap3A_198] {strides = array<i32>} : memref<512x128xf32, #tpu.memory_space<vmem>>, vector<1x16xf32>,
      %swap3A_200 = vector.shape_cast %swap3A_199 : vector<1x16xf32> to vector<16xf32>
      %swap3A_201 = vector.shape_cast %sub3A_196 : vector<16xf32> to vector<1x16xf32>
      tpu.vector_store %arg7[%swap3A_197, %swap3A_198], %swap3A_201 {strides = array<i32>} : memref<512x128xf32, #tpu.memory_space<vmem>>, vector<1x16xf32>,
      %get3A_202 = arith.index_cast %scan3A_143 : i32 to index
      %get3A_203 = arith.constant 96 : index
      %get3A_204 = tpu.vector_load %arg7[%get3A_202, %get3A_203] {strides = array<i32>} : memref<512x128xf32, #tpu.memory_space<vmem>>, vector<1x16xf32>,
      %get3A_205 = vector.shape_cast %get3A_204 : vector<1x16xf32> to vector<16xf32>
      %sub3A_206 = arith.subf %get3A_205, %get3A_75 : vector<16xf32>
      %swap3A_207 = arith.index_cast %scan3A_143 : i32 to index
      %swap3A_208 = arith.constant 96 : index
      %swap3A_209 = tpu.vector_load %arg7[%swap3A_207, %swap3A_208] {strides = array<i32>} : memref<512x128xf32, #tpu.memory_space<vmem>>, vector<1x16xf32>,
      %swap3A_210 = vector.shape_cast %swap3A_209 : vector<1x16xf32> to vector<16xf32>
      %swap3A_211 = vector.shape_cast %sub3A_206 : vector<16xf32> to vector<1x16xf32>
      tpu.vector_store %arg7[%swap3A_207, %swap3A_208], %swap3A_211 {strides = array<i32>} : memref<512x128xf32, #tpu.memory_space<vmem>>, vector<1x16xf32>,
      %get3A_212 = arith.index_cast %scan3A_143 : i32 to index
      %get3A_213 = arith.constant 112 : index
      %get3A_214 = tpu.vector_load %arg7[%get3A_212, %get3A_213] {strides = array<i32>} : memref<512x128xf32, #tpu.memory_space<vmem>>, vector<1x16xf32>,
      %get3A_215 = vector.shape_cast %get3A_214 : vector<1x16xf32> to vector<16xf32>
      %sub3A_216 = arith.subf %get3A_215, %get3A_80 : vector<16xf32>
      %swap3A_217 = arith.index_cast %scan3A_143 : i32 to index
      %swap3A_218 = arith.constant 112 : index
      %swap3A_219 = tpu.vector_load %arg7[%swap3A_217, %swap3A_218] {strides = array<i32>} : memref<512x128xf32, #tpu.memory_space<vmem>>, vector<1x16xf32>,
      %swap3A_220 = vector.shape_cast %swap3A_219 : vector<1x16xf32> to vector<16xf32>
      %swap3A_221 = vector.shape_cast %sub3A_216 : vector<16xf32> to vector<1x16xf32>
      tpu.vector_store %arg7[%swap3A_217, %swap3A_218], %swap3A_221 {strides = array<i32>} : memref<512x128xf32, #tpu.memory_space<vmem>>, vector<1x16xf32>,
    }
    %scan3A_94 = arith.constant 128 : i32
    %dma_wait3A_95 = arith.constant 1 : i32
    %dma_wait3A_96 = arith.constant 128 : i32
    %dma_wait3A_97 = arith.constant 0 : i32
    %dma_wait3A_98 = tpu.memref_slice %arg7[%dma_wait3A_96, %dma_wait3A_97] : memref<512x128xf32, #tpu.memory_space<vmem>> -> memref<128x128xf32, #tpu.memory_space<vmem>>
    %dma_wait3A_99 = arith.constant 0 : i32
    %dma_wait3A_100 = tpu.memref_slice %arg6[%dma_wait3A_95, %dma_wait3A_99] : memref<4x128xi32, #tpu.memory_space<vmem>> -> memref<1x128xi32, #tpu.memory_space<vmem>>
    %dma_wait3A_101 = tpu.memref_squeeze %dma_wait3A_100 : memref<1x128xi32, #tpu.memory_space<vmem>> -> memref<128xi32, #tpu.memory_space<vmem>>
    %dma_wait3A_102 = arith.constant 0 : i32
    %dma_wait3A_103 = arith.constant 0 : i32
    %dma_wait3A_104 = tpu.memref_slice %arg2[%dma_wait3A_102, %dma_wait3A_103] : memref<100000x128xf32, #tpu.memory_space<hbm>> -> memref<100000x128xf32, #tpu.memory_space<hbm>>
    tpu.wait_indirect_dma semaphore(%arg10 : memref<!tpu.dma_semaphore, #tpu.memory_space<semaphore_mem>>) src(%dma_wait3A_104 : memref<100000x128xf32, #tpu.memory_space<hbm>>) dst(%dma_wait3A_98 : memref<128x128xf32, #tpu.memory_space<vmem>>)
    %scan3A_105 = arith.constant 0 : i32
    %scan3A_106 = arith.constant 128 : i32
    %scan3A_107 = arith.constant 128 : i32
    %scan3A_108 = arith.addi %scan3A_106, %scan3A_107 : i32
    %scan3A_109 = arith.constant 1 : i32
    scf.for %scan3A_143 = %scan3A_106 to %scan3A_108 step %scan3A_109  : i32 {
      %get3A_144 = arith.index_cast %scan3A_143 : i32 to index
      %get3A_145 = arith.constant 0 : index
      %get3A_146 = tpu.vector_load %arg7[%get3A_144, %get3A_145] {strides = array<i32>} : memref<512x128xf32, #tpu.memory_space<vmem>>, vector<1x16xf32>,
      %get3A_147 = vector.shape_cast %get3A_146 : vector<1x16xf32> to vector<16xf32>
      %sub3A = arith.subf %get3A_147, %get3A_45 : vector<16xf32>
      %swap3A = arith.index_cast %scan3A_143 : i32 to index
      %swap3A_148 = arith.constant 0 : index
      %swap3A_149 = tpu.vector_load %arg7[%swap3A, %swap3A_148] {strides = array<i32>} : memref<512x128xf32, #tpu.memory_space<vmem>>, vector<1x16xf32>,
      %swap3A_150 = vector.shape_cast %swap3A_149 : vector<1x16xf32> to vector<16xf32>
      %swap3A_151 = vector.shape_cast %sub3A : vector<16xf32> to vector<1x16xf32>
      tpu.vector_store %arg7[%swap3A, %swap3A_148], %swap3A_151 {strides = array<i32>} : memref<512x128xf32, #tpu.memory_space<vmem>>, vector<1x16xf32>,
      %get3A_152 = arith.index_cast %scan3A_143 : i32 to index
      %get3A_153 = arith.constant 16 : index
      %get3A_154 = tpu.vector_load %arg7[%get3A_152, %get3A_153] {strides = array<i32>} : memref<512x128xf32, #tpu.memory_space<vmem>>, vector<1x16xf32>,
      %get3A_155 = vector.shape_cast %get3A_154 : vector<1x16xf32> to vector<16xf32>
      %sub3A_156 = arith.subf %get3A_155, %get3A_50 : vector<16xf32>
      %swap3A_157 = arith.index_cast %scan3A_143 : i32 to index
      %swap3A_158 = arith.constant 16 : index
      %swap3A_159 = tpu.vector_load %arg7[%swap3A_157, %swap3A_158] {strides = array<i32>} : memref<512x128xf32, #tpu.memory_space<vmem>>, vector<1x16xf32>,
      %swap3A_160 = vector.shape_cast %swap3A_159 : vector<1x16xf32> to vector<16xf32>
      %swap3A_161 = vector.shape_cast %sub3A_156 : vector<16xf32> to vector<1x16xf32>
      tpu.vector_store %arg7[%swap3A_157, %swap3A_158], %swap3A_161 {strides = array<i32>} : memref<512x128xf32, #tpu.memory_space<vmem>>, vector<1x16xf32>,
      %get3A_162 = arith.index_cast %scan3A_143 : i32 to index
      %get3A_163 = arith.constant 32 : index
      %get3A_164 = tpu.vector_load %arg7[%get3A_162, %get3A_163] {strides = array<i32>} : memref<512x128xf32, #tpu.memory_space<vmem>>, vector<1x16xf32>,
      %get3A_165 = vector.shape_cast %get3A_164 : vector<1x16xf32> to vector<16xf32>
      %sub3A_166 = arith.subf %get3A_165, %get3A_55 : vector<16xf32>
      %swap3A_167 = arith.index_cast %scan3A_143 : i32 to index
      %swap3A_168 = arith.constant 32 : index
      %swap3A_169 = tpu.vector_load %arg7[%swap3A_167, %swap3A_168] {strides = array<i32>} : memref<512x128xf32, #tpu.memory_space<vmem>>, vector<1x16xf32>,
      %swap3A_170 = vector.shape_cast %swap3A_169 : vector<1x16xf32> to vector<16xf32>
      %swap3A_171 = vector.shape_cast %sub3A_166 : vector<16xf32> to vector<1x16xf32>
      tpu.vector_store %arg7[%swap3A_167, %swap3A_168], %swap3A_171 {strides = array<i32>} : memref<512x128xf32, #tpu.memory_space<vmem>>, vector<1x16xf32>,
      %get3A_172 = arith.index_cast %scan3A_143 : i32 to index
      %get3A_173 = arith.constant 48 : index
      %get3A_174 = tpu.vector_load %arg7[%get3A_172, %get3A_173] {strides = array<i32>} : memref<512x128xf32, #tpu.memory_space<vmem>>, vector<1x16xf32>,
      %get3A_175 = vector.shape_cast %get3A_174 : vector<1x16xf32> to vector<16xf32>
      %sub3A_176 = arith.subf %get3A_175, %get3A_60 : vector<16xf32>
      %swap3A_177 = arith.index_cast %scan3A_143 : i32 to index
      %swap3A_178 = arith.constant 48 : index
      %swap3A_179 = tpu.vector_load %arg7[%swap3A_177, %swap3A_178] {strides = array<i32>} : memref<512x128xf32, #tpu.memory_space<vmem>>, vector<1x16xf32>,
      %swap3A_180 = vector.shape_cast %swap3A_179 : vector<1x16xf32> to vector<16xf32>
      %swap3A_181 = vector.shape_cast %sub3A_176 : vector<16xf32> to vector<1x16xf32>
      tpu.vector_store %arg7[%swap3A_177, %swap3A_178], %swap3A_181 {strides = array<i32>} : memref<512x128xf32, #tpu.memory_space<vmem>>, vector<1x16xf32>,
      %get3A_182 = arith.index_cast %scan3A_143 : i32 to index
      %get3A_183 = arith.constant 64 : index
      %get3A_184 = tpu.vector_load %arg7[%get3A_182, %get3A_183] {strides = array<i32>} : memref<512x128xf32, #tpu.memory_space<vmem>>, vector<1x16xf32>,
      %get3A_185 = vector.shape_cast %get3A_184 : vector<1x16xf32> to vector<16xf32>
      %sub3A_186 = arith.subf %get3A_185, %get3A_65 : vector<16xf32>
      %swap3A_187 = arith.index_cast %scan3A_143 : i32 to index
      %swap3A_188 = arith.constant 64 : index
      %swap3A_189 = tpu.vector_load %arg7[%swap3A_187, %swap3A_188] {strides = array<i32>} : memref<512x128xf32, #tpu.memory_space<vmem>>, vector<1x16xf32>,
      %swap3A_190 = vector.shape_cast %swap3A_189 : vector<1x16xf32> to vector<16xf32>
      %swap3A_191 = vector.shape_cast %sub3A_186 : vector<16xf32> to vector<1x16xf32>
      tpu.vector_store %arg7[%swap3A_187, %swap3A_188], %swap3A_191 {strides = array<i32>} : memref<512x128xf32, #tpu.memory_space<vmem>>, vector<1x16xf32>,
      %get3A_192 = arith.index_cast %scan3A_143 : i32 to index
      %get3A_193 = arith.constant 80 : index
      %get3A_194 = tpu.vector_load %arg7[%get3A_192, %get3A_193] {strides = array<i32>} : memref<512x128xf32, #tpu.memory_space<vmem>>, vector<1x16xf32>,
      %get3A_195 = vector.shape_cast %get3A_194 : vector<1x16xf32> to vector<16xf32>
      %sub3A_196 = arith.subf %get3A_195, %get3A_70 : vector<16xf32>
      %swap3A_197 = arith.index_cast %scan3A_143 : i32 to index
      %swap3A_198 = arith.constant 80 : index
      %swap3A_199 = tpu.vector_load %arg7[%swap3A_197, %swap3A_198] {strides = array<i32>} : memref<512x128xf32, #tpu.memory_space<vmem>>, vector<1x16xf32>,
      %swap3A_200 = vector.shape_cast %swap3A_199 : vector<1x16xf32> to vector<16xf32>
      %swap3A_201 = vector.shape_cast %sub3A_196 : vector<16xf32> to vector<1x16xf32>
      tpu.vector_store %arg7[%swap3A_197, %swap3A_198], %swap3A_201 {strides = array<i32>} : memref<512x128xf32, #tpu.memory_space<vmem>>, vector<1x16xf32>,
      %get3A_202 = arith.index_cast %scan3A_143 : i32 to index
      %get3A_203 = arith.constant 96 : index
      %get3A_204 = tpu.vector_load %arg7[%get3A_202, %get3A_203] {strides = array<i32>} : memref<512x128xf32, #tpu.memory_space<vmem>>, vector<1x16xf32>,
      %get3A_205 = vector.shape_cast %get3A_204 : vector<1x16xf32> to vector<16xf32>
      %sub3A_206 = arith.subf %get3A_205, %get3A_75 : vector<16xf32>
      %swap3A_207 = arith.index_cast %scan3A_143 : i32 to index
      %swap3A_208 = arith.constant 96 : index
      %swap3A_209 = tpu.vector_load %arg7[%swap3A_207, %swap3A_208] {strides = array<i32>} : memref<512x128xf32, #tpu.memory_space<vmem>>, vector<1x16xf32>,
      %swap3A_210 = vector.shape_cast %swap3A_209 : vector<1x16xf32> to vector<16xf32>
      %swap3A_211 = vector.shape_cast %sub3A_206 : vector<16xf32> to vector<1x16xf32>
      tpu.vector_store %arg7[%swap3A_207, %swap3A_208], %swap3A_211 {strides = array<i32>} : memref<512x128xf32, #tpu.memory_space<vmem>>, vector<1x16xf32>,
      %get3A_212 = arith.index_cast %scan3A_143 : i32 to index
      %get3A_213 = arith.constant 112 : index
      %get3A_214 = tpu.vector_load %arg7[%get3A_212, %get3A_213] {strides = array<i32>} : memref<512x128xf32, #tpu.memory_space<vmem>>, vector<1x16xf32>,
      %get3A_215 = vector.shape_cast %get3A_214 : vector<1x16xf32> to vector<16xf32>
      %sub3A_216 = arith.subf %get3A_215, %get3A_80 : vector<16xf32>
      %swap3A_217 = arith.index_cast %scan3A_143 : i32 to index
      %swap3A_218 = arith.constant 112 : index
      %swap3A_219 = tpu.vector_load %arg7[%swap3A_217, %swap3A_218] {strides = array<i32>} : memref<512x128xf32, #tpu.memory_space<vmem>>, vector<1x16xf32>,
      %swap3A_220 = vector.shape_cast %swap3A_219 : vector<1x16xf32> to vector<16xf32>
      %swap3A_221 = vector.shape_cast %sub3A_216 : vector<16xf32> to vector<1x16xf32>
      tpu.vector_store %arg7[%swap3A_217, %swap3A_218], %swap3A_221 {strides = array<i32>} : memref<512x128xf32, #tpu.memory_space<vmem>>, vector<1x16xf32>,
    }
    %scan3A_110 = arith.constant 128 : i32
    %dma_wait3A_111 = arith.constant 2 : i32
    %dma_wait3A_112 = arith.constant 256 : i32
    %dma_wait3A_113 = arith.constant 0 : i32
    %dma_wait3A_114 = tpu.memref_slice %arg7[%dma_wait3A_112, %dma_wait3A_113] : memref<512x128xf32, #tpu.memory_space<vmem>> -> memref<128x128xf32, #tpu.memory_space<vmem>>
    %dma_wait3A_115 = arith.constant 0 : i32
    %dma_wait3A_116 = tpu.memref_slice %arg6[%dma_wait3A_111, %dma_wait3A_115] : memref<4x128xi32, #tpu.memory_space<vmem>> -> memref<1x128xi32, #tpu.memory_space<vmem>>
    %dma_wait3A_117 = tpu.memref_squeeze %dma_wait3A_116 : memref<1x128xi32, #tpu.memory_space<vmem>> -> memref<128xi32, #tpu.memory_space<vmem>>
    %dma_wait3A_118 = arith.constant 0 : i32
    %dma_wait3A_119 = arith.constant 0 : i32
    %dma_wait3A_120 = tpu.memref_slice %arg2[%dma_wait3A_118, %dma_wait3A_119] : memref<100000x128xf32, #tpu.memory_space<hbm>> -> memref<100000x128xf32, #tpu.memory_space<hbm>>
    tpu.wait_indirect_dma semaphore(%arg11 : memref<!tpu.dma_semaphore, #tpu.memory_space<semaphore_mem>>) src(%dma_wait3A_120 : memref<100000x128xf32, #tpu.memory_space<hbm>>) dst(%dma_wait3A_114 : memref<128x128xf32, #tpu.memory_space<vmem>>)
    %scan3A_121 = arith.constant 0 : i32
    %scan3A_122 = arith.constant 256 : i32
    %scan3A_123 = arith.constant 128 : i32
    %scan3A_124 = arith.addi %scan3A_122, %scan3A_123 : i32
    %scan3A_125 = arith.constant 1 : i32
    scf.for %scan3A_143 = %scan3A_122 to %scan3A_124 step %scan3A_125  : i32 {
      %get3A_144 = arith.index_cast %scan3A_143 : i32 to index
      %get3A_145 = arith.constant 0 : index
      %get3A_146 = tpu.vector_load %arg7[%get3A_144, %get3A_145] {strides = array<i32>} : memref<512x128xf32, #tpu.memory_space<vmem>>, vector<1x16xf32>,
      %get3A_147 = vector.shape_cast %get3A_146 : vector<1x16xf32> to vector<16xf32>
      %sub3A = arith.subf %get3A_147, %get3A_45 : vector<16xf32>
      %swap3A = arith.index_cast %scan3A_143 : i32 to index
      %swap3A_148 = arith.constant 0 : index
      %swap3A_149 = tpu.vector_load %arg7[%swap3A, %swap3A_148] {strides = array<i32>} : memref<512x128xf32, #tpu.memory_space<vmem>>, vector<1x16xf32>,
      %swap3A_150 = vector.shape_cast %swap3A_149 : vector<1x16xf32> to vector<16xf32>
      %swap3A_151 = vector.shape_cast %sub3A : vector<16xf32> to vector<1x16xf32>
      tpu.vector_store %arg7[%swap3A, %swap3A_148], %swap3A_151 {strides = array<i32>} : memref<512x128xf32, #tpu.memory_space<vmem>>, vector<1x16xf32>,
      %get3A_152 = arith.index_cast %scan3A_143 : i32 to index
      %get3A_153 = arith.constant 16 : index
      %get3A_154 = tpu.vector_load %arg7[%get3A_152, %get3A_153] {strides = array<i32>} : memref<512x128xf32, #tpu.memory_space<vmem>>, vector<1x16xf32>,
      %get3A_155 = vector.shape_cast %get3A_154 : vector<1x16xf32> to vector<16xf32>
      %sub3A_156 = arith.subf %get3A_155, %get3A_50 : vector<16xf32>
      %swap3A_157 = arith.index_cast %scan3A_143 : i32 to index
      %swap3A_158 = arith.constant 16 : index
      %swap3A_159 = tpu.vector_load %arg7[%swap3A_157, %swap3A_158] {strides = array<i32>} : memref<512x128xf32, #tpu.memory_space<vmem>>, vector<1x16xf32>,
      %swap3A_160 = vector.shape_cast %swap3A_159 : vector<1x16xf32> to vector<16xf32>
      %swap3A_161 = vector.shape_cast %sub3A_156 : vector<16xf32> to vector<1x16xf32>
      tpu.vector_store %arg7[%swap3A_157, %swap3A_158], %swap3A_161 {strides = array<i32>} : memref<512x128xf32, #tpu.memory_space<vmem>>, vector<1x16xf32>,
      %get3A_162 = arith.index_cast %scan3A_143 : i32 to index
      %get3A_163 = arith.constant 32 : index
      %get3A_164 = tpu.vector_load %arg7[%get3A_162, %get3A_163] {strides = array<i32>} : memref<512x128xf32, #tpu.memory_space<vmem>>, vector<1x16xf32>,
      %get3A_165 = vector.shape_cast %get3A_164 : vector<1x16xf32> to vector<16xf32>
      %sub3A_166 = arith.subf %get3A_165, %get3A_55 : vector<16xf32>
      %swap3A_167 = arith.index_cast %scan3A_143 : i32 to index
      %swap3A_168 = arith.constant 32 : index
      %swap3A_169 = tpu.vector_load %arg7[%swap3A_167, %swap3A_168] {strides = array<i32>} : memref<512x128xf32, #tpu.memory_space<vmem>>, vector<1x16xf32>,
      %swap3A_170 = vector.shape_cast %swap3A_169 : vector<1x16xf32> to vector<16xf32>
      %swap3A_171 = vector.shape_cast %sub3A_166 : vector<16xf32> to vector<1x16xf32>
      tpu.vector_store %arg7[%swap3A_167, %swap3A_168], %swap3A_171 {strides = array<i32>} : memref<512x128xf32, #tpu.memory_space<vmem>>, vector<1x16xf32>,
      %get3A_172 = arith.index_cast %scan3A_143 : i32 to index
      %get3A_173 = arith.constant 48 : index
      %get3A_174 = tpu.vector_load %arg7[%get3A_172, %get3A_173] {strides = array<i32>} : memref<512x128xf32, #tpu.memory_space<vmem>>, vector<1x16xf32>,
      %get3A_175 = vector.shape_cast %get3A_174 : vector<1x16xf32> to vector<16xf32>
      %sub3A_176 = arith.subf %get3A_175, %get3A_60 : vector<16xf32>
      %swap3A_177 = arith.index_cast %scan3A_143 : i32 to index
      %swap3A_178 = arith.constant 48 : index
      %swap3A_179 = tpu.vector_load %arg7[%swap3A_177, %swap3A_178] {strides = array<i32>} : memref<512x128xf32, #tpu.memory_space<vmem>>, vector<1x16xf32>,
      %swap3A_180 = vector.shape_cast %swap3A_179 : vector<1x16xf32> to vector<16xf32>
      %swap3A_181 = vector.shape_cast %sub3A_176 : vector<16xf32> to vector<1x16xf32>
      tpu.vector_store %arg7[%swap3A_177, %swap3A_178], %swap3A_181 {strides = array<i32>} : memref<512x128xf32, #tpu.memory_space<vmem>>, vector<1x16xf32>,
      %get3A_182 = arith.index_cast %scan3A_143 : i32 to index
      %get3A_183 = arith.constant 64 : index
      %get3A_184 = tpu.vector_load %arg7[%get3A_182, %get3A_183] {strides = array<i32>} : memref<512x128xf32, #tpu.memory_space<vmem>>, vector<1x16xf32>,
      %get3A_185 = vector.shape_cast %get3A_184 : vector<1x16xf32> to vector<16xf32>
      %sub3A_186 = arith.subf %get3A_185, %get3A_65 : vector<16xf32>
      %swap3A_187 = arith.index_cast %scan3A_143 : i32 to index
      %swap3A_188 = arith.constant 64 : index
      %swap3A_189 = tpu.vector_load %arg7[%swap3A_187, %swap3A_188] {strides = array<i32>} : memref<512x128xf32, #tpu.memory_space<vmem>>, vector<1x16xf32>,
      %swap3A_190 = vector.shape_cast %swap3A_189 : vector<1x16xf32> to vector<16xf32>
      %swap3A_191 = vector.shape_cast %sub3A_186 : vector<16xf32> to vector<1x16xf32>
      tpu.vector_store %arg7[%swap3A_187, %swap3A_188], %swap3A_191 {strides = array<i32>} : memref<512x128xf32, #tpu.memory_space<vmem>>, vector<1x16xf32>,
      %get3A_192 = arith.index_cast %scan3A_143 : i32 to index
      %get3A_193 = arith.constant 80 : index
      %get3A_194 = tpu.vector_load %arg7[%get3A_192, %get3A_193] {strides = array<i32>} : memref<512x128xf32, #tpu.memory_space<vmem>>, vector<1x16xf32>,
      %get3A_195 = vector.shape_cast %get3A_194 : vector<1x16xf32> to vector<16xf32>
      %sub3A_196 = arith.subf %get3A_195, %get3A_70 : vector<16xf32>
      %swap3A_197 = arith.index_cast %scan3A_143 : i32 to index
      %swap3A_198 = arith.constant 80 : index
      %swap3A_199 = tpu.vector_load %arg7[%swap3A_197, %swap3A_198] {strides = array<i32>} : memref<512x128xf32, #tpu.memory_space<vmem>>, vector<1x16xf32>,
      %swap3A_200 = vector.shape_cast %swap3A_199 : vector<1x16xf32> to vector<16xf32>
      %swap3A_201 = vector.shape_cast %sub3A_196 : vector<16xf32> to vector<1x16xf32>
      tpu.vector_store %arg7[%swap3A_197, %swap3A_198], %swap3A_201 {strides = array<i32>} : memref<512x128xf32, #tpu.memory_space<vmem>>, vector<1x16xf32>,
      %get3A_202 = arith.index_cast %scan3A_143 : i32 to index
      %get3A_203 = arith.constant 96 : index
      %get3A_204 = tpu.vector_load %arg7[%get3A_202, %get3A_203] {strides = array<i32>} : memref<512x128xf32, #tpu.memory_space<vmem>>, vector<1x16xf32>,
      %get3A_205 = vector.shape_cast %get3A_204 : vector<1x16xf32> to vector<16xf32>
      %sub3A_206 = arith.subf %get3A_205, %get3A_75 : vector<16xf32>
      %swap3A_207 = arith.index_cast %scan3A_143 : i32 to index
      %swap3A_208 = arith.constant 96 : index
      %swap3A_209 = tpu.vector_load %arg7[%swap3A_207, %swap3A_208] {strides = array<i32>} : memref<512x128xf32, #tpu.memory_space<vmem>>, vector<1x16xf32>,
      %swap3A_210 = vector.shape_cast %swap3A_209 : vector<1x16xf32> to vector<16xf32>
      %swap3A_211 = vector.shape_cast %sub3A_206 : vector<16xf32> to vector<1x16xf32>
      tpu.vector_store %arg7[%swap3A_207, %swap3A_208], %swap3A_211 {strides = array<i32>} : memref<512x128xf32, #tpu.memory_space<vmem>>, vector<1x16xf32>,
      %get3A_212 = arith.index_cast %scan3A_143 : i32 to index
      %get3A_213 = arith.constant 112 : index
      %get3A_214 = tpu.vector_load %arg7[%get3A_212, %get3A_213] {strides = array<i32>} : memref<512x128xf32, #tpu.memory_space<vmem>>, vector<1x16xf32>,
      %get3A_215 = vector.shape_cast %get3A_214 : vector<1x16xf32> to vector<16xf32>
      %sub3A_216 = arith.subf %get3A_215, %get3A_80 : vector<16xf32>
      %swap3A_217 = arith.index_cast %scan3A_143 : i32 to index
      %swap3A_218 = arith.constant 112 : index
      %swap3A_219 = tpu.vector_load %arg7[%swap3A_217, %swap3A_218] {strides = array<i32>} : memref<512x128xf32, #tpu.memory_space<vmem>>, vector<1x16xf32>,
      %swap3A_220 = vector.shape_cast %swap3A_219 : vector<1x16xf32> to vector<16xf32>
      %swap3A_221 = vector.shape_cast %sub3A_216 : vector<16xf32> to vector<1x16xf32>
      tpu.vector_store %arg7[%swap3A_217, %swap3A_218], %swap3A_221 {strides = array<i32>} : memref<512x128xf32, #tpu.memory_space<vmem>>, vector<1x16xf32>,
    }
    %scan3A_126 = arith.constant 128 : i32
    %dma_wait3A_127 = arith.constant 3 : i32
    %dma_wait3A_128 = arith.constant 384 : i32
    %dma_wait3A_129 = arith.constant 0 : i32
    %dma_wait3A_130 = tpu.memref_slice %arg7[%dma_wait3A_128, %dma_wait3A_129] : memref<512x128xf32, #tpu.memory_space<vmem>> -> memref<128x128xf32, #tpu.memory_space<vmem>>
    %dma_wait3A_131 = arith.constant 0 : i32
    %dma_wait3A_132 = tpu.memref_slice %arg6[%dma_wait3A_127, %dma_wait3A_131] : memref<4x128xi32, #tpu.memory_space<vmem>> -> memref<1x128xi32, #tpu.memory_space<vmem>>
    %dma_wait3A_133 = tpu.memref_squeeze %dma_wait3A_132 : memref<1x128xi32, #tpu.memory_space<vmem>> -> memref<128xi32, #tpu.memory_space<vmem>>
    %dma_wait3A_134 = arith.constant 0 : i32
    %dma_wait3A_135 = arith.constant 0 : i32
    %dma_wait3A_136 = tpu.memref_slice %arg2[%dma_wait3A_134, %dma_wait3A_135] : memref<100000x128xf32, #tpu.memory_space<hbm>> -> memref<100000x128xf32, #tpu.memory_space<hbm>>
    tpu.wait_indirect_dma semaphore(%arg12 : memref<!tpu.dma_semaphore, #tpu.memory_space<semaphore_mem>>) src(%dma_wait3A_136 : memref<100000x128xf32, #tpu.memory_space<hbm>>) dst(%dma_wait3A_130 : memref<128x128xf32, #tpu.memory_space<vmem>>)
    %scan3A_137 = arith.constant 0 : i32
    %scan3A_138 = arith.constant 384 : i32
    %scan3A_139 = arith.constant 128 : i32
    %scan3A_140 = arith.addi %scan3A_138, %scan3A_139 : i32
    %scan3A_141 = arith.constant 1 : i32
    scf.for %scan3A_143 = %scan3A_138 to %scan3A_140 step %scan3A_141  : i32 {
      %get3A_144 = arith.index_cast %scan3A_143 : i32 to index
      %get3A_145 = arith.constant 0 : index
      %get3A_146 = tpu.vector_load %arg7[%get3A_144, %get3A_145] {strides = array<i32>} : memref<512x128xf32, #tpu.memory_space<vmem>>, vector<1x16xf32>,
      %get3A_147 = vector.shape_cast %get3A_146 : vector<1x16xf32> to vector<16xf32>
      %sub3A = arith.subf %get3A_147, %get3A_45 : vector<16xf32>
      %swap3A = arith.index_cast %scan3A_143 : i32 to index
      %swap3A_148 = arith.constant 0 : index
      %swap3A_149 = tpu.vector_load %arg7[%swap3A, %swap3A_148] {strides = array<i32>} : memref<512x128xf32, #tpu.memory_space<vmem>>, vector<1x16xf32>,
      %swap3A_150 = vector.shape_cast %swap3A_149 : vector<1x16xf32> to vector<16xf32>
      %swap3A_151 = vector.shape_cast %sub3A : vector<16xf32> to vector<1x16xf32>
      tpu.vector_store %arg7[%swap3A, %swap3A_148], %swap3A_151 {strides = array<i32>} : memref<512x128xf32, #tpu.memory_space<vmem>>, vector<1x16xf32>,
      %get3A_152 = arith.index_cast %scan3A_143 : i32 to index
      %get3A_153 = arith.constant 16 : index
      %get3A_154 = tpu.vector_load %arg7[%get3A_152, %get3A_153] {strides = array<i32>} : memref<512x128xf32, #tpu.memory_space<vmem>>, vector<1x16xf32>,
      %get3A_155 = vector.shape_cast %get3A_154 : vector<1x16xf32> to vector<16xf32>
      %sub3A_156 = arith.subf %get3A_155, %get3A_50 : vector<16xf32>
      %swap3A_157 = arith.index_cast %scan3A_143 : i32 to index
      %swap3A_158 = arith.constant 16 : index
      %swap3A_159 = tpu.vector_load %arg7[%swap3A_157, %swap3A_158] {strides = array<i32>} : memref<512x128xf32, #tpu.memory_space<vmem>>, vector<1x16xf32>,
      %swap3A_160 = vector.shape_cast %swap3A_159 : vector<1x16xf32> to vector<16xf32>
      %swap3A_161 = vector.shape_cast %sub3A_156 : vector<16xf32> to vector<1x16xf32>
      tpu.vector_store %arg7[%swap3A_157, %swap3A_158], %swap3A_161 {strides = array<i32>} : memref<512x128xf32, #tpu.memory_space<vmem>>, vector<1x16xf32>,
      %get3A_162 = arith.index_cast %scan3A_143 : i32 to index
      %get3A_163 = arith.constant 32 : index
      %get3A_164 = tpu.vector_load %arg7[%get3A_162, %get3A_163] {strides = array<i32>} : memref<512x128xf32, #tpu.memory_space<vmem>>, vector<1x16xf32>,
      %get3A_165 = vector.shape_cast %get3A_164 : vector<1x16xf32> to vector<16xf32>
      %sub3A_166 = arith.subf %get3A_165, %get3A_55 : vector<16xf32>
      %swap3A_167 = arith.index_cast %scan3A_143 : i32 to index
      %swap3A_168 = arith.constant 32 : index
      %swap3A_169 = tpu.vector_load %arg7[%swap3A_167, %swap3A_168] {strides = array<i32>} : memref<512x128xf32, #tpu.memory_space<vmem>>, vector<1x16xf32>,
      %swap3A_170 = vector.shape_cast %swap3A_169 : vector<1x16xf32> to vector<16xf32>
      %swap3A_171 = vector.shape_cast %sub3A_166 : vector<16xf32> to vector<1x16xf32>
      tpu.vector_store %arg7[%swap3A_167, %swap3A_168], %swap3A_171 {strides = array<i32>} : memref<512x128xf32, #tpu.memory_space<vmem>>, vector<1x16xf32>,
      %get3A_172 = arith.index_cast %scan3A_143 : i32 to index
      %get3A_173 = arith.constant 48 : index
      %get3A_174 = tpu.vector_load %arg7[%get3A_172, %get3A_173] {strides = array<i32>} : memref<512x128xf32, #tpu.memory_space<vmem>>, vector<1x16xf32>,
      %get3A_175 = vector.shape_cast %get3A_174 : vector<1x16xf32> to vector<16xf32>
      %sub3A_176 = arith.subf %get3A_175, %get3A_60 : vector<16xf32>
      %swap3A_177 = arith.index_cast %scan3A_143 : i32 to index
      %swap3A_178 = arith.constant 48 : index
      %swap3A_179 = tpu.vector_load %arg7[%swap3A_177, %swap3A_178] {strides = array<i32>} : memref<512x128xf32, #tpu.memory_space<vmem>>, vector<1x16xf32>,
      %swap3A_180 = vector.shape_cast %swap3A_179 : vector<1x16xf32> to vector<16xf32>
      %swap3A_181 = vector.shape_cast %sub3A_176 : vector<16xf32> to vector<1x16xf32>
      tpu.vector_store %arg7[%swap3A_177, %swap3A_178], %swap3A_181 {strides = array<i32>} : memref<512x128xf32, #tpu.memory_space<vmem>>, vector<1x16xf32>,
      %get3A_182 = arith.index_cast %scan3A_143 : i32 to index
      %get3A_183 = arith.constant 64 : index
      %get3A_184 = tpu.vector_load %arg7[%get3A_182, %get3A_183] {strides = array<i32>} : memref<512x128xf32, #tpu.memory_space<vmem>>, vector<1x16xf32>,
      %get3A_185 = vector.shape_cast %get3A_184 : vector<1x16xf32> to vector<16xf32>
      %sub3A_186 = arith.subf %get3A_185, %get3A_65 : vector<16xf32>
      %swap3A_187 = arith.index_cast %scan3A_143 : i32 to index
      %swap3A_188 = arith.constant 64 : index
      %swap3A_189 = tpu.vector_load %arg7[%swap3A_187, %swap3A_188] {strides = array<i32>} : memref<512x128xf32, #tpu.memory_space<vmem>>, vector<1x16xf32>,
      %swap3A_190 = vector.shape_cast %swap3A_189 : vector<1x16xf32> to vector<16xf32>
      %swap3A_191 = vector.shape_cast %sub3A_186 : vector<16xf32> to vector<1x16xf32>
      tpu.vector_store %arg7[%swap3A_187, %swap3A_188], %swap3A_191 {strides = array<i32>} : memref<512x128xf32, #tpu.memory_space<vmem>>, vector<1x16xf32>,
      %get3A_192 = arith.index_cast %scan3A_143 : i32 to index
      %get3A_193 = arith.constant 80 : index
      %get3A_194 = tpu.vector_load %arg7[%get3A_192, %get3A_193] {strides = array<i32>} : memref<512x128xf32, #tpu.memory_space<vmem>>, vector<1x16xf32>,
      %get3A_195 = vector.shape_cast %get3A_194 : vector<1x16xf32> to vector<16xf32>
      %sub3A_196 = arith.subf %get3A_195, %get3A_70 : vector<16xf32>
      %swap3A_197 = arith.index_cast %scan3A_143 : i32 to index
      %swap3A_198 = arith.constant 80 : index
      %swap3A_199 = tpu.vector_load %arg7[%swap3A_197, %swap3A_198] {strides = array<i32>} : memref<512x128xf32, #tpu.memory_space<vmem>>, vector<1x16xf32>,
      %swap3A_200 = vector.shape_cast %swap3A_199 : vector<1x16xf32> to vector<16xf32>
      %swap3A_201 = vector.shape_cast %sub3A_196 : vector<16xf32> to vector<1x16xf32>
      tpu.vector_store %arg7[%swap3A_197, %swap3A_198], %swap3A_201 {strides = array<i32>} : memref<512x128xf32, #tpu.memory_space<vmem>>, vector<1x16xf32>,
      %get3A_202 = arith.index_cast %scan3A_143 : i32 to index
      %get3A_203 = arith.constant 96 : index
      %get3A_204 = tpu.vector_load %arg7[%get3A_202, %get3A_203] {strides = array<i32>} : memref<512x128xf32, #tpu.memory_space<vmem>>, vector<1x16xf32>,
      %get3A_205 = vector.shape_cast %get3A_204 : vector<1x16xf32> to vector<16xf32>
      %sub3A_206 = arith.subf %get3A_205, %get3A_75 : vector<16xf32>
      %swap3A_207 = arith.index_cast %scan3A_143 : i32 to index
      %swap3A_208 = arith.constant 96 : index
      %swap3A_209 = tpu.vector_load %arg7[%swap3A_207, %swap3A_208] {strides = array<i32>} : memref<512x128xf32, #tpu.memory_space<vmem>>, vector<1x16xf32>,
      %swap3A_210 = vector.shape_cast %swap3A_209 : vector<1x16xf32> to vector<16xf32>
      %swap3A_211 = vector.shape_cast %sub3A_206 : vector<16xf32> to vector<1x16xf32>
      tpu.vector_store %arg7[%swap3A_207, %swap3A_208], %swap3A_211 {strides = array<i32>} : memref<512x128xf32, #tpu.memory_space<vmem>>, vector<1x16xf32>,
      %get3A_212 = arith.index_cast %scan3A_143 : i32 to index
      %get3A_213 = arith.constant 112 : index
      %get3A_214 = tpu.vector_load %arg7[%get3A_212, %get3A_213] {strides = array<i32>} : memref<512x128xf32, #tpu.memory_space<vmem>>, vector<1x16xf32>,
      %get3A_215 = vector.shape_cast %get3A_214 : vector<1x16xf32> to vector<16xf32>
      %sub3A_216 = arith.subf %get3A_215, %get3A_80 : vector<16xf32>
      %swap3A_217 = arith.index_cast %scan3A_143 : i32 to index
      %swap3A_218 = arith.constant 112 : index
      %swap3A_219 = tpu.vector_load %arg7[%swap3A_217, %swap3A_218] {strides = array<i32>} : memref<512x128xf32, #tpu.memory_space<vmem>>, vector<1x16xf32>,
      %swap3A_220 = vector.shape_cast %swap3A_219 : vector<1x16xf32> to vector<16xf32>
      %swap3A_221 = vector.shape_cast %sub3A_216 : vector<16xf32> to vector<1x16xf32>
      tpu.vector_store %arg7[%swap3A_217, %swap3A_218], %swap3A_221 {strides = array<i32>} : memref<512x128xf32, #tpu.memory_space<vmem>>, vector<1x16xf32>,
    }
    %scan3A_142 = arith.constant 128 : i32
    "tpu.region"() ({
      %run_scoped3A = tpu.sem_alloc : memref<!tpu.dma_semaphore, #tpu.memory_space<semaphore_mem>>
      %dma_start3A_143 = arith.constant 0 : i32
      %dma_start3A_144 = tpu.memref_slice %arg5[%mul3A_2, %dma_start3A_143] : memref<16384x128xf32, #tpu.memory_space<hbm>> -> memref<512x128xf32, #tpu.memory_space<hbm>>
      %dma_start3A_145 = arith.constant 0 : i32
      %dma_start3A_146 = tpu.memref_slice %arg5[%mul3A_2, %dma_start3A_145] : memref<16384x128xf32, #tpu.memory_space<hbm>> -> memref<512x128xf32, #tpu.memory_space<hbm>>
      tpu.enqueue_dma source(%arg7 : memref<512x128xf32, #tpu.memory_space<vmem>>) target(%dma_start3A_146 : memref<512x128xf32, #tpu.memory_space<hbm>>) target_semaphore(%run_scoped3A : memref<!tpu.dma_semaphore, #tpu.memory_space<semaphore_mem>>)
      %dma_wait3A_147 = arith.constant 0 : i32
      %dma_wait3A_148 = tpu.memref_slice %arg5[%mul3A_2, %dma_wait3A_147] : memref<16384x128xf32, #tpu.memory_space<hbm>> -> memref<512x128xf32, #tpu.memory_space<hbm>>
      %dma_wait3A_149 = arith.constant 0 : i32
      %dma_wait3A_150 = tpu.memref_slice %arg5[%mul3A_2, %dma_wait3A_149] : memref<16384x128xf32, #tpu.memory_space<hbm>> -> memref<512x128xf32, #tpu.memory_space<hbm>>
      tpu.wait_dma2 semaphore(%run_scoped3A : memref<!tpu.dma_semaphore, #tpu.memory_space<semaphore_mem>>) src(%arg7 : memref<512x128xf32, #tpu.memory_space<vmem>>) dst(%dma_wait3A_150 : memref<512x128xf32, #tpu.memory_space<hbm>>)
      tpu.yield
    }) : () -> ()
    return
  }
}

module attributes {stable_mosaic.version = 14 : i64} {
  func.func @_stats_transpose_body(%arg0: i32, %arg1: memref<128x8192xf32, #tpu.memory_space<vmem>>, %arg2: memref<8192x128xf32, #tpu.memory_space<vmem>>, %arg3: memref<1x128xf32, #tpu.memory_space<vmem>>, %arg4: memref<1x128xf32, #tpu.memory_space<vmem>>, %arg5: memref<1x128xf32, #tpu.memory_space<vmem>>) attributes {dimension_semantics = [#tpu.dimension_semantics<arbitrary>], iteration_bounds = array<i64: 13>, scalar_prefetch = 0 : i64, scratch_operands = 2 : i64, tpu.core_type = #tpu.core_type<tc>, window_params = [{transform_indices = @transform_0, window_bounds = array<i64: 128, 8192>}, {transform_indices = @transform_1, window_bounds = array<i64: 8192, 128>}, {pipeline_mode = #tpu.pipeline_mode<synchronous>, transform_indices = @transform_2, window_bounds = array<i64: 1, 128>}]} {
    %get3A = arith.constant 0 : index
    %get3A_0 = arith.constant 0 : index
    %get3A_1 = vector.load %arg1[%get3A, %get3A_0] : memref<128x8192xf32, #tpu.memory_space<vmem>>, vector<128x8192xf32>
    %transpose3A = tpu.transpose %get3A_1, [1, 0] : vector<128x8192xf32> -> vector<8192x128xf32>
    %mul3A = arith.constant 8192 : i32
    %mul3A_2 = arith.muli %arg0, %mul3A : i32
    %iota3A = tpu.iota {dimensions = array<i32: 0>} : vector<8192x128xi32>
    %add3A = vector.broadcast %mul3A_2 : i32 to vector<8192x128xi32>
    %add3A_3 = arith.addi %add3A, %iota3A : vector<8192x128xi32>
    %lt3A = arith.constant 100000 : i32
    %lt3A_4 = vector.broadcast %lt3A : i32 to vector<8192x128xi32>
    %lt3A_5 = arith.cmpi slt, %add3A_3, %lt3A_4 : vector<8192x128xi32>
    %jit3A = arith.constant 0xFF800000 : f32
    %broadcast_in_dim3A = vector.broadcast %jit3A : f32 to vector<8192x128xf32>
    %select_n3A = arith.select %lt3A_5, %transpose3A, %broadcast_in_dim3A : vector<8192x128xi1>, vector<8192x128xf32>
    %swap3A = arith.constant 0 : index
    %swap3A_6 = arith.constant 0 : index
    %swap3A_7 = vector.load %arg2[%swap3A, %swap3A_6] : memref<8192x128xf32, #tpu.memory_space<vmem>>, vector<8192x128xf32>
    tpu.vector_store %arg2[%swap3A, %swap3A_6], %select_n3A {strides = array<i32>} : memref<8192x128xf32, #tpu.memory_space<vmem>>, vector<8192x128xf32>,
    %eq3A = arith.constant 0 : i32
    %eq3A_8 = arith.cmpi eq, %arg0, %eq3A : i32
    %convert_element_type3A = arith.extui %eq3A_8 : i1 to i32
    %cond3A = arith.constant 0 : i32
    %cond3A_9 = arith.cmpi ne, %convert_element_type3A, %cond3A : i32
    scf.if %cond3A_9 {
      %broadcast_in_dim3A_36 = arith.constant 0xFF800000 : f32
      %broadcast_in_dim3A_37 = vector.broadcast %broadcast_in_dim3A_36 : f32 to vector<1x128xf32>
      %swap3A_38 = arith.constant 0 : index
      %swap3A_39 = arith.constant 0 : index
      %swap3A_40 = vector.load %arg4[%swap3A_38, %swap3A_39] : memref<1x128xf32, #tpu.memory_space<vmem>>, vector<1x128xf32>
      tpu.vector_store %arg4[%swap3A_38, %swap3A_39], %broadcast_in_dim3A_37 {strides = array<i32>} : memref<1x128xf32, #tpu.memory_space<vmem>>, vector<1x128xf32>,
      %broadcast_in_dim3A_41 = arith.constant 0.000000e+00 : f32
      %broadcast_in_dim3A_42 = vector.broadcast %broadcast_in_dim3A_41 : f32 to vector<1x128xf32>
      %swap3A_43 = arith.constant 0 : index
      %swap3A_44 = arith.constant 0 : index
      %swap3A_45 = vector.load %arg5[%swap3A_43, %swap3A_44] : memref<1x128xf32, #tpu.memory_space<vmem>>, vector<1x128xf32>
      tpu.vector_store %arg5[%swap3A_43, %swap3A_44], %broadcast_in_dim3A_42 {strides = array<i32>} : memref<1x128xf32, #tpu.memory_space<vmem>>, vector<1x128xf32>,
    } else {
    }
    %reduce_max3A = arith.constant dense<0xFF800000> : vector<128xf32>
    %reduce_max3A_10 = vector.multi_reduction <maximumf>, %select_n3A, %reduce_max3A [0] : vector<8192x128xf32> to vector<128xf32>
    %broadcast_in_dim3A_11 = vector.shape_cast %reduce_max3A_10 : vector<128xf32> to vector<1x128xf32>
    %get3A_12 = arith.constant 0 : index
    %get3A_13 = arith.constant 0 : index
    %get3A_14 = vector.load %arg4[%get3A_12, %get3A_13] : memref<1x128xf32, #tpu.memory_space<vmem>>, vector<1x128xf32>
    %max3A = arith.maximumf %get3A_14, %broadcast_in_dim3A_11 : vector<1x128xf32>
    %get3A_15 = arith.constant 0 : index
    %get3A_16 = arith.constant 0 : index
    %get3A_17 = vector.load %arg5[%get3A_15, %get3A_16] : memref<1x128xf32, #tpu.memory_space<vmem>>, vector<1x128xf32>
    %sub3A = arith.subf %get3A_14, %max3A : vector<1x128xf32>
    %exp3A = math.exp %sub3A : vector<1x128xf32>
    %mul3A_18 = arith.mulf %get3A_17, %exp3A : vector<1x128xf32>
    %sub3A_19 = vector.broadcast %max3A : vector<1x128xf32> to vector<8192x128xf32>
    %sub3A_20 = arith.subf %select_n3A, %sub3A_19 : vector<8192x128xf32>
    %exp3A_21 = math.exp %sub3A_20 : vector<8192x128xf32>
    %reduce_sum3A = arith.constant dense<0.000000e+00> : vector<128xf32>
    %reduce_sum3A_22 = vector.multi_reduction <add>, %exp3A_21, %reduce_sum3A [0] : vector<8192x128xf32> to vector<128xf32>
    %broadcast_in_dim3A_23 = vector.shape_cast %reduce_sum3A_22 : vector<128xf32> to vector<1x128xf32>
    %add3A_24 = arith.addf %mul3A_18, %broadcast_in_dim3A_23 : vector<1x128xf32>
    %swap3A_25 = arith.constant 0 : index
    %swap3A_26 = arith.constant 0 : index
    %swap3A_27 = vector.load %arg4[%swap3A_25, %swap3A_26] : memref<1x128xf32, #tpu.memory_space<vmem>>, vector<1x128xf32>
    tpu.vector_store %arg4[%swap3A_25, %swap3A_26], %max3A {strides = array<i32>} : memref<1x128xf32, #tpu.memory_space<vmem>>, vector<1x128xf32>,
    %swap3A_28 = arith.constant 0 : index
    %swap3A_29 = arith.constant 0 : index
    %swap3A_30 = vector.load %arg5[%swap3A_28, %swap3A_29] : memref<1x128xf32, #tpu.memory_space<vmem>>, vector<1x128xf32>
    tpu.vector_store %arg5[%swap3A_28, %swap3A_29], %add3A_24 {strides = array<i32>} : memref<1x128xf32, #tpu.memory_space<vmem>>, vector<1x128xf32>,
    %eq3A_31 = arith.constant 12 : i32
    %eq3A_32 = arith.cmpi eq, %arg0, %eq3A_31 : i32
    %convert_element_type3A_33 = arith.extui %eq3A_32 : i1 to i32
    %cond3A_34 = arith.constant 0 : i32
    %cond3A_35 = arith.cmpi ne, %convert_element_type3A_33, %cond3A_34 : i32
    scf.if %cond3A_35 {
      %log3A = math.log %add3A_24 : vector<1x128xf32>
      %add3A_36 = arith.addf %max3A, %log3A : vector<1x128xf32>
      %swap3A_37 = arith.constant 0 : index
      %swap3A_38 = arith.constant 0 : index
      %swap3A_39 = vector.load %arg3[%swap3A_37, %swap3A_38] : memref<1x128xf32, #tpu.memory_space<vmem>>, vector<1x128xf32>
      tpu.vector_store %arg3[%swap3A_37, %swap3A_38], %add3A_36 {strides = array<i32>} : memref<1x128xf32, #tpu.memory_space<vmem>>, vector<1x128xf32>,
    } else {
    }
    return
  }
  func.func @transform_0(%arg0: i32) -> (i32, i32) {
    %c0_i32 = arith.constant 0 : i32
    %c0_i32_0 = arith.constant 0 : i32
    return %c0_i32, %arg0 : i32, i32
  }
  func.func @transform_1(%arg0: i32) -> (i32, i32) {
    %c0_i32 = arith.constant 0 : i32
    %c0_i32_0 = arith.constant 0 : i32
    return %arg0, %c0_i32 : i32, i32
  }
  func.func @transform_2(%arg0: i32) -> (i32, i32) {
    %c0_i32 = arith.constant 0 : i32
    %c0_i32_0 = arith.constant 0 : i32
    %c0_i32_1 = arith.constant 0 : i32
    return %c0_i32, %c0_i32_0 : i32, i32
  }
}

</mosaic_0001>

<sc_bundles>
// kernel: kernel.4.cloned.1.call-start
scs
__scs_entry_jumppad:
0x0: {  	(pc) =	sbr.rel $0x88, $3  }
0x1: {  	(tag) =	ssettag $0x0;
	lr =	simm.s32 $0x1  }
0x2: {  	[smem:$0x3F9F] =	sst lr;
	_ =	strace $0xD0000000  }
0x3: {  	_ = 	snop  }
0x4: {  	_ = 	snop  }
0x5: {  	_ = 	snop  }
0x6: {  	_ = 	snop  }
0x7: {  	_ = 	snop  }
__scs_overlays_trampoline_lowered:
0x8: {  	[smem:$0x3FAE] =	sst s0  }
0x9: {  	[smem:$0x3FAF] =	sst s1  }
0xa: {  	[smem:$0x3FB0] =	sst s2  }
0xb: {  	[smem:$0x3FB1] =	sst s3  }
0xc: {  	[smem:$0x3FB2] =	sst s4  }
0xd: {  	[smem:$0x3FB3] =	sst s5  }
0xe: {  	[smem:$0x3FB4] =	sst s6  }
0xf: {  	[smem:$0x3FB5] =	sst s7  }
0x10: {  	[smem:$0x3FB6] =	sst s8  }
0x11: {  	[smem:$0x3FB7] =	sst s9;
	s0 =	simm.s32 @!p0 $0x0  }
0x12: {  	s1 =	sld [smem:$0x3F9D];
	s0 =	simm.s32 @p0 $0x1  }
0x13: {  	[smem:$0x3FB8] =	sst s0;
	s0 =	simm.s32 @!p1 $0x0  }
0x14: {  	s2 =	sld [smem:$0x3F9C];
	s0 =	simm.s32 @p1 $0x1  }
0x15: {  	[smem:$0x3FB9] =	sst s0;
	s0 =	simm.s32 @!p2 $0x0  }
0x16: {  	s3 =	sld [smem:$0x3FDB];
	s0 =	simm.s32 @p2 $0x1  }
0x17: {  	s4 =	simm.s32 $0x1BF5;
	[smem:$0x3FBB] =	sst s0  }
0x18: {  	s0 =	sld [smem:$0x3F9E];
	_ =	swait.ge [sflag:s4], $0x0  }
0x19: {  	s7 =	sld [smem:$0x3F9F]  }
0x1a: {  	s8 =	sadd.s32 $0xFFFFE003, lr  }
0x1b: {  	s9 =	sadd.s32 $0xFFFFFEF7, lr;
	s5 =	simm.s32 $0xFFFFFFFF;
	p2 =	slt.u32 s8, $0xFFFFF086  }
0x1c: {  	p1 =	slt.u32 s9, $0xF7A;
	s5 =	simm.s32 @!p2 $0x0  }
0x1d: {  	s5 =	simm.s32 @p1 $0x1;
	p0 =	seq.s32 s7, s2  }
0x1e: {  	s7 =	smul.u32 @!p0 $0xF7A, s2;
	p2 =	seq.s32 @!p0 s5, $0x0  }
0x1f: {  	s9 =	smul.u32 $0xF7A, s1;
	s8 =	simm.s32 @!p0 $0x1BF5;
	p2 =	por !p2, p0  }
0x20: {  	[sflag:s8] =	ssyncset.s32 @!p0 $0xFFFFF086;
	s6 =	sadd.s32 @!p0 s3, s7;
	s7 =	simm.s32 @!p0 $0x108  }
0x21: {  	s3 =	sadd.s32 s3, s9;
	s6 =	sadd.s32 @!p0 $0x88, s6;
	s7 =	simm.s32 @p2 $0x1082  }
0x22: {  	[simem:s7], [sflag:s8] =	dma.local @!p0 [hbm:s6], $0xF7A  }
0x23: {  	s9 =	sor.u32 $0xD0000000, s2;
	s6 =	simm.s32 $0x108;
	_ =	swait.ge @!p0 [sflag:s8], $0x0  }
0x24: {  	s3 =	sadd.s32 $0x88, s3;
	s6 =	simm.s32 @!p1 $0x1082;
	[sflag:s4] =	ssyncset.s32 $0xFFFFF086  }
0x25: {  	[simem:s6], [sflag:s4] =	dma.local [hbm:s3], $0xF7A  }
0x26: {  	[smem:$0x3F9F] =	sst s1;
	(tag) =	ssettag s2;
	_ =	strace s9  }
0x27: {  	s1 =	sld [smem:$0x3FAF]  }
0x28: {  	s2 =	sld [smem:$0x3FB0]  }
0x29: {  	s4 =	sld [smem:$0x3FB2]  }
0x2a: {  	p0 =	seq.s32 s5, $0x0;
	s5 =	sld [smem:$0x3FB3]  }
0x2b: {  	s6 =	sld [smem:$0x3FB4]  }
0x2c: {  	s7 =	sld [smem:$0x3FB5]  }
0x2d: {  	s3 =	simm.s32 $0x108;
	s8 =	sld [smem:$0x3FB6]  }
0x2e: {  	s3 =	simm.s32 @!p0 $0x1082;
	s9 =	sld [smem:$0x3FB7]  }
0x2f: {  	lr =	sadd.s32 s0, s3;
	s0 =	sld [smem:$0x3FAE]  }
0x30: {  	s3 =	sld [smem:$0x3FB1]  }
0x31: {  	[smem:$0x3FBA] =	sst s10  }
0x32: {  	s10 =	sld [smem:$0x3FB8];
	_ =	sdelay $0x3  }
0x33: {  	p0 =	seq.s32 s10, $0x1;
	s10 =	sld [smem:$0x3FBA];
	_ =	sdelay $0x3  }
0x34: {  	[smem:$0x3FBA] =	sst s10  }
0x35: {  	s10 =	sld [smem:$0x3FB9];
	_ =	sdelay $0x3  }
0x36: {  	p1 =	seq.s32 s10, $0x1;
	s10 =	sld [smem:$0x3FBA];
	_ =	sdelay $0x3  }
0x37: {  	[smem:$0x3FBA] =	sst s10  }
0x38: {  	s10 =	sld [smem:$0x3FBB]  }
0x39: {  	_ = 	snop;
	(pc) =	sbr.ind lr, $3  }
0x3a: {  	_ = 	snop  }
0x3b: {  	_ = 	snop  }
0x3c: {  	p2 =	seq.s32 s10, $0x1;
	s10 =	sld [smem:$0x3FBA]  }
0x3d: {  	_ =	shalt  }
0x3e: {  	_ =	shalt  }
0x3f: {  	_ =	shalt  }
0x40: {  	_ =	shalt  }
0x41: {  	_ =	shalt  }
0x42: {  	_ =	shalt  }
0x43: {  	_ =	shalt  }
0x44: {  	_ =	shalt  }
0x45: {  	_ =	shalt  }
0x46: {  	_ =	shalt  }
0x47: {  	_ =	shalt  }
0x48: {  	_ =	shalt  }
0x49: {  	_ =	shalt  }
0x4a: {  	_ =	shalt  }
0x4b: {  	_ =	shalt  }
0x4c: {  	_ =	shalt  }
0x4d: {  	_ =	shalt  }
0x4e: {  	_ =	shalt  }
0x4f: {  	_ =	shalt  }
0x50: {  	_ =	shalt  }
0x51: {  	_ =	shalt  }
0x52: {  	_ =	shalt  }
0x53: {  	_ =	shalt  }
0x54: {  	_ =	shalt  }
0x55: {  	_ =	shalt  }
0x56: {  	_ =	shalt  }
0x57: {  	_ =	shalt  }
0x58: {  	_ =	shalt  }
0x59: {  	_ =	shalt  }
0x5a: {  	_ =	shalt  }
0x5b: {  	_ =	shalt  }
0x5c: {  	_ =	shalt  }
0x5d: {  	_ =	shalt  }
0x5e: {  	_ =	shalt  }
0x5f: {  	_ =	shalt  }
0x60: {  	_ =	shalt  }
0x61: {  	_ =	shalt  }
0x62: {  	_ =	shalt  }
0x63: {  	_ =	shalt  }
0x64: {  	_ =	shalt  }
0x65: {  	_ =	shalt  }
0x66: {  	_ =	shalt  }
0x67: {  	_ =	shalt  }
0x68: {  	_ =	shalt  }
0x69: {  	_ =	shalt  }
0x6a: {  	_ =	shalt  }
0x6b: {  	_ =	shalt  }
0x6c: {  	_ =	shalt  }
0x6d: {  	_ =	shalt  }
0x6e: {  	_ =	shalt  }
0x6f: {  	_ =	shalt  }
0x70: {  	_ =	shalt  }
0x71: {  	_ =	shalt  }
0x72: {  	_ =	shalt  }
0x73: {  	_ =	shalt  }
0x74: {  	_ =	shalt  }
0x75: {  	_ =	shalt  }
0x76: {  	_ =	shalt  }
0x77: {  	_ =	shalt  }
0x78: {  	_ =	shalt  }
0x79: {  	_ =	shalt  }
0x7a: {  	_ =	shalt  }
0x7b: {  	_ =	shalt  }
0x7c: {  	_ =	shalt  }
0x7d: {  	_ =	shalt  }
0x7e: {  	_ =	shalt  }
0x7f: {  	_ =	shalt  }
0x80: {  	_ =	shalt  }
0x81: {  	_ =	shalt  }
0x82: {  	_ =	shalt  }
0x83: {  	_ =	shalt  }
0x84: {  	_ =	shalt  }
0x85: {  	_ =	shalt  }
0x86: {  	_ =	shalt  }
0x87: {  	_ =	shalt  }
.Lfunc_end0:
.L_simem_size_0:
called_computation_lowered:
.L_overlay_start_0:
0x88: {  	s2 =	sld [smem:$0x3FD9]  }
0x89: {  	s3 =	sld [smem:$0x3FFE];
	_ =	sdelay $0x1  }
0x8a: {  	s1 =	srdreg.scid  }
0x8b: {  	s0 =	sand.u32 $0x1, s1  }
0x8c: {  	s17 =	sshll.u32 s0, $0xA;
	s2 =	sadd.s32 s3, s2  }
0x8d: {  	s2 =	sadd.s32 s2, s17  }
0x8e: {  	[smem:$0x3FC6] =	sst s2  }
0x8f: {  	_ = 	snop  }
0x90: {  	s2 =	sld [smem:$0x3FC9]  }
0x91: {  	s18 =	sld [smem:$0x3FD0];
	(tm) =	ssettm $0x1  }
0x92: {  	s4 =	sld [smem:$0x3FFB];
	_ =	sdelay $0x3  }
0x93: {  	_ =	strace s4  }
0x94: {  	s4 =	sld [smem:$0x3FFC];
	_ =	sdelay $0x3  }
0x95: {  	_ =	strace s4  }
0x96: {  	s4 =	sld [smem:$0x3FFD];
	_ =	sdelay $0x3  }
0x97: {  	_ =	strace s4  }
0x98: {  	_ =	strace $0x8FFFFFFF  }
0x99: {  	s19 =	sld [smem:$0x3FDB];
	_ =	sdelay $0x1  }
0x9a: {  	s5 =	simm.s32 $_scs_section_size  }
0x9b: {  	s6 =	simm.s32 $_size__tile_overlayer_lowered;
	s7 =	simm.s32 $_tile_overlayer_lowered  }
0x9c: {  	s22 =	simm.s32 $0x1BFF;
	s21 =	sshll.u32 s7, $0x1;
	s4 =	sadd.s32 s5, s19  }
0x9d: {  	s8 =	simm.s32 $0x0;
	s20 =	sshll.u32 s6, $0x1;
	s6 =	sadd.s32 s21, s4  }
0x9e: {  	[timem:s8], [sflag:s22] =	dma.local [hbm:s6], s20  }
0x9f: {  	_ =	swait.ge [sflag:s22], s20  }
0xa0: {  	s5 =	ssub.s32 $0x0, s20;
	[sflag:s22] =	ssyncset.done $0x0  }
0xa1: {  	[sflag:s22] =	ssyncadd.s32 s5;
	_ =	sdelay $0x1  }
0xa2: {  	s23 =	simm.s32 $0x1B8B  }
0xa3: {  	_ =	swait.ge [sflag:s23], $0x1  }
0xa4: {  	[sflag:s23] =	ssyncset.done $0x0  }
0xa5: {  	s25 =	simm.s32 $0x1B8E;
	s24 =	sld [smem:$0x3FFE];
	[sflag:s23] =	ssyncadd.s32 $0xFFFFFFFF  }
0xa6: {  	s26 =	simm.s32 $execute0_lowered;
	[smem:$0x3FD2] =	sst s25  }
0xa7: {  	s6 =	sshll.u32 s26, $0x1;
	_ =	strace $0x80000046;
	[dreg:$0x1] =	wrdreg $0xFFFFFFFF  }
0xa8: {  	s28 =	simm.s32 $_size_execute0_lowered;
	s4 =	sadd.s32 s4, s6;
	[dreg:$0x0] =	wrdreg $0x0  }
0xa9: {  	s6 =	sshll.u32 s28, $0x1;
	[dreg:$0x2] =	wrdreg s4  }
0xaa: {  	[dreg:$0x3] =	wrdreg s6  }
0xab: {  	[dreg:$0x4] =	wrdreg $0xC0  }
0xac: {  	_ =	task [dreg:s8], $0x5FFFF  }
0xad: {  	[dreg:$0x1] =	wrdreg $0xFFFFFFFF  }
0xae: {  	[dreg:$0x0] =	wrdreg $0x60  }
0xaf: {  	[dreg:$0x2] =	wrdreg s24  }
0xb0: {  	[dreg:$0x3] =	wrdreg s2  }
0xb1: {  	[dreg:$0x4] =	wrdreg s18  }
0xb2: {  	[dreg:$0x5] =	wrdreg $0x9  }
0xb3: {  	_ =	task.clear_ibuf [dreg:s8], $0x6FFFF;
	_ =	strace $0x90000046  }
0xb4: {  	s29 =	simm.s32 $0x9;
	_ =	strace $0x80000048  }
0xb5: {  	_ =	swait.ge [sflag:s29], $0x1  }
0xb6: {  	[sflag:s29] =	ssyncadd.s32 $0xFFFFFFFF  }
0xb7: {  	_ =	strace $0x90000048  }
0xb8: {  	_ =	sfence  }
0xb9: {  	s30 =	sld [smem:$0x0];
	_ =	sdelay $0x2  }
0xba: {  	s31 =	sshll.u32 s1, $0xD;
	s1 =	sshrl.u32 s1, $0x2  }
0xbb: {  	s3 =	sand.u32 $0x4000, s31;
	s1 =	sadd.s32 s1, s30  }
0xbc: {  	s0 =	sor.u32 s3, s0;
	s1 =	sshll.u32 s1, $0x11  }
0xbd: {  	s0 =	sor.u32 s1, s0  }
0xbe: {  	s0 =	sadd.s32 $0x8F2B, s0  }
0xbf: {  	[sflag:s0] =	ssyncadd.remote.s32 $0x1  }
0xc0: {  	_ =	sfence.sel $0xFFFF  }
0xc1: {  	[dreg:$0x0] =	wrdreg $0xFFFFFFFF;
	(pc) =	sbr.abs _section_cstart, $3  }
0xc2: {  	[dreg:$0x1] =	wrdreg $0xFFFFFFFF  }
0xc3: {  	_ =	task.clear_ibuf [dreg:s8], $0x2FFFF;
	_ =	strace $0x9FFFFFFF  }
0xc4: {  	(tm) =	ssettm $0x7FFFFFFF  }
0xc5: {  	_ =	shalt  }
tec
execute0_lowered:
.L_overlay_start_1:
0x0: {  	(tag) =	ssettag $0x1  }
0x1: {  	s4 =	rddreg [dreg:$0x0]  }
0x2: {  	s5 =	rddreg [dreg:$0x1]  }
0x3: {  	s6 =	rddreg [dreg:$0x2]  }
0x4: {  	s0 =	rddreg [dreg:$0x3]  }
0x5: {  	s2 =	simm.s32 $0x0;
	s3 =	srdreg.scid;
	s1 =	stileid.u32  }
0x6: {  	s11 =	simm.s32 $0x200;
	s12 =	simm.s32 $0x4200;
	s13 =	simm.s32 $0x100  }
0x7: {  	s14 =	simm.s32 $0x8200;
	s15 =	simm.s32 $0x180;
	s16 =	simm.s32 $0xC200  }
0x8: {  	s17 =	simm.s32 $0x1;
	s18 =	simm.s32 $0x2;
	s19 =	simm.s32 $0x3  }
0x9: {  	s20 =	simm.s32 $0x4;
	s21 =	simm.s32 $0x0;
	[smem:$0x7FF] =	sst s2  }
0xa: {  	s7 =	sand.u32 $0x1, s3;
	s3 =	sadd.s32 $0x187800, s4;
	s8 =	sshll.u32 s1, $0xA  }
0xb: {  	s4 =	sadd.s32 $0x800, s4;
	s9 =	sshll.u32 s7, $0x9;
	s7 =	ssub.s32 $0x2, s7  }
0xc: {  	_ =	strace $0x80000047;
	s8 =	sor.u32 s9, s8;
	s31 =	sshrl.u32 s7, $0x1  }
0xd: {  	s9 =	simm.s32 $0x10200;
	s10 =	sshrl.u32 s8, $0x3;
	s8 =	sshll.u32 s8, $0x4  }
0xe: {  	s7 =	ssub.s32 s7, s31;
	s5 =	sadd.s32 s5, s10;
	s6 =	sadd.s32 s6, s8  }
0xf: {  	s7 =	smax.u32 s7, $0x1;
	s8 =	simm.s32 $0x5;
	s10 =	simm.s32 $0x80  }
.LBB2_1:
0x10: {  	[tilespmem:s2], [sflag:$0x5] =	stream.linear.gather [hbm4b:s5+s2], $0x200, $0x38;
	[tilespmem:$0x10280] =	vst v63  }
0x11: {  	_ =	swait.ge [sflag:s8], $0x200  }
0x12: {  	[sflag:s8] =	ssyncset.done $0x0  }
0x13: {  	[sflag:s8] =	ssyncadd.s32 $0xFFFFFE00  }
0x14: {  	[tilespmem:s9], [sflag:$0x5] =	stream.linear.gather [hbm4b:s4+s2], $0x80, $0x38;
	[tilespmem:$0x10280] =	vst v63  }
0x15: {  	_ =	swait.ge [sflag:s8], $0x80  }
0x16: {  	[sflag:s8] =	ssyncset.done $0x0  }
0x17: {  	[sflag:s8] =	ssyncadd.s32 $0xFFFFFF80  }
0x18: {  	[tilespmem:s11], [sflag:$0x1] =	stream.indirect.gather [hbm4b:s3+s10], $0x80, s2, s10, $0xb8;
	[tilespmem:$0x10280] =	vst v63  }
0x19: {  	_ = 	snop  }
0x1a: {  	[tilespmem:s12], [sflag:$0x2] =	stream.indirect.gather [hbm4b:s3+s10], $0x80, s10, s10, $0xb8;
	[tilespmem:$0x10280] =	vst v63  }
0x1b: {  	_ = 	snop  }
0x1c: {  	[tilespmem:s14], [sflag:$0x3] =	stream.indirect.gather [hbm4b:s3+s10], $0x80, s13, s10, $0xb8;
	[tilespmem:$0x10280] =	vst v63  }
0x1d: {  	_ = 	snop  }
0x1e: {  	[tilespmem:s16], [sflag:$0x4] =	stream.indirect.gather [hbm4b:s3+s10], $0x80, s15, s10, $0xb8;
	[tilespmem:$0x10280] =	vst v63  }
0x1f: {  	v6 =	vld [tilespmem:$0x10200]  }
0x20: {  	v7 =	vld [tilespmem:$0x10210]  }
0x21: {  	v5 =	vld [tilespmem:$0x10220]  }
0x22: {  	v4 =	vld [tilespmem:$0x10230]  }
0x23: {  	v3 =	vld [tilespmem:$0x10240]  }
0x24: {  	v2 =	vld [tilespmem:$0x10250]  }
0x25: {  	v1 =	vld [tilespmem:$0x10260]  }
0x26: {  	v0 =	vld [tilespmem:$0x10270];
	_ =	swait.ge [sflag:s17], $0x4000  }
0x27: {  	[sflag:s17] =	ssyncset.done $0x0  }
0x28: {  	s22 =	simm.s32 $0x0;
	[sflag:s17] =	ssyncadd.s32 $0xFFFFC000  }
0x29: {  	v11 =	vld [tilespmem:s22+$0x200]  }
0x2a: {  	v13 =	vld [tilespmem:s22+$0x210]  }
0x2b: {  	v12 =	vld [tilespmem:s22+$0x220]  }
0x2c: {  	v10 =	vld [tilespmem:s22+$0x230]  }
0x2d: {  	v8 =	vld [tilespmem:s22+$0x240]  }
0x2e: {  	v9 =	vld [tilespmem:s22+$0x250];
	v14 =	vsub.f32 v11, v6  }
0x2f: {  	s23 =	simm.s32 $0x200;
	v13 =	vsub.f32 v13, v7;
	v11 =	vld [tilespmem:s22+$0x260]  }
.LBB2_2:
0x30: {  	s24 =	sshra.s32 s23, $0x2;
	p0 =	sne.s32 s23, $0xFE00;
	[tilespmem:s22+$0x200] =	vst v14;
	v12 =	vsub.f32 v12, v5;
	v14 =	vld [tilespmem:s22+$0x270]  }
0x31: {  	v15 =	vld [tilespmem:s24+$0x200];
	[tilespmem:s22+$0x210] =	vst v13;
	v10 =	vsub.f32 v10, v4  }
0x32: {  	v13 =	vld [tilespmem:s24+$0x210];
	[tilespmem:s22+$0x220] =	vst v12;
	v8 =	vsub.f32 v8, v3  }
.Ltmp0:
0x33: {  	v12 =	vld [tilespmem:s24+$0x220];
	[tilespmem:s22+$0x230] =	vst v10;
	v9 =	vsub.f32 v9, v2;
	(pc) =	sbr.rel @p0 .LBB2_2-.Ltmp0, $4  }
0x34: {  	v10 =	vld [tilespmem:s24+$0x230];
	[tilespmem:s22+$0x240] =	vst v8;
	v11 =	vsub.f32 v11, v1  }
0x35: {  	v8 =	vld [tilespmem:s24+$0x240];
	[tilespmem:s22+$0x250] =	vst v9;
	v16 =	vsub.f32 v14, v0  }
0x36: {  	v14 =	vsub.f32 v15, v6;
	v9 =	vld [tilespmem:s24+$0x250];
	[tilespmem:s22+$0x260] =	vst v11  }
0x37: {  	s23 =	sadd.s32 $0x200, s23;
	v13 =	vsub.f32 v13, v7;
	v11 =	vld [tilespmem:s24+$0x260];
	[tilespmem:s22+$0x270] =	vst v16;
	s22 =	smov.u32 s24  }
0x38: {  	[tilespmem:s22+$0x200] =	vst v14;
	v12 =	vsub.f32 v12, v5;
	v14 =	vld [tilespmem:s22+$0x270]  }
0x39: {  	[tilespmem:s22+$0x210] =	vst v13;
	v10 =	vsub.f32 v10, v4  }
0x3a: {  	[tilespmem:s22+$0x220] =	vst v12;
	v8 =	vsub.f32 v8, v3  }
0x3b: {  	[tilespmem:s22+$0x230] =	vst v10;
	v9 =	vsub.f32 v9, v2  }
0x3c: {  	[tilespmem:s22+$0x240] =	vst v8;
	v8 =	vsub.f32 v11, v1  }
0x3d: {  	[tilespmem:s22+$0x250] =	vst v9;
	v9 =	vsub.f32 v14, v0  }
0x3e: {  	[tilespmem:s22+$0x260] =	vst v8  }
0x3f: {  	[tilespmem:s22+$0x270] =	vst v9  }
0x40: {  	_ =	swait.ge [sflag:s18], $0x4000  }
0x41: {  	[sflag:s18] =	ssyncset.done $0x0  }
0x42: {  	s22 =	simm.s32 $0x0;
	[sflag:s18] =	ssyncadd.s32 $0xFFFFC000  }
0x43: {  	v11 =	vld [tilespmem:s22+$0x4200]  }
0x44: {  	v13 =	vld [tilespmem:s22+$0x4210]  }
0x45: {  	v12 =	vld [tilespmem:s22+$0x4220]  }
0x46: {  	v10 =	vld [tilespmem:s22+$0x4230]  }
0x47: {  	v8 =	vld [tilespmem:s22+$0x4240]  }
0x48: {  	v9 =	vld [tilespmem:s22+$0x4250];
	v14 =	vsub.f32 v11, v6  }
0x49: {  	s23 =	simm.s32 $0x200;
	v13 =	vsub.f32 v13, v7;
	v11 =	vld [tilespmem:s22+$0x4260]  }
.LBB2_4:
0x4a: {  	s24 =	sshra.s32 s23, $0x2;
	p0 =	sne.s32 s23, $0xFE00;
	[tilespmem:s22+$0x4200] =	vst v14;
	v12 =	vsub.f32 v12, v5;
	v14 =	vld [tilespmem:s22+$0x4270]  }
0x4b: {  	v15 =	vld [tilespmem:s24+$0x4200];
	[tilespmem:s22+$0x4210] =	vst v13;
	v10 =	vsub.f32 v10, v4  }
0x4c: {  	v13 =	vld [tilespmem:s24+$0x4210];
	[tilespmem:s22+$0x4220] =	vst v12;
	v8 =	vsub.f32 v8, v3  }
.Ltmp1:
0x4d: {  	v12 =	vld [tilespmem:s24+$0x4220];
	[tilespmem:s22+$0x4230] =	vst v10;
	v9 =	vsub.f32 v9, v2;
	(pc) =	sbr.rel @p0 .LBB2_4-.Ltmp1, $4  }
0x4e: {  	v10 =	vld [tilespmem:s24+$0x4230];
	[tilespmem:s22+$0x4240] =	vst v8;
	v11 =	vsub.f32 v11, v1  }
0x4f: {  	v8 =	vld [tilespmem:s24+$0x4240];
	[tilespmem:s22+$0x4250] =	vst v9;
	v16 =	vsub.f32 v14, v0  }
0x50: {  	v14 =	vsub.f32 v15, v6;
	v9 =	vld [tilespmem:s24+$0x4250];
	[tilespmem:s22+$0x4260] =	vst v11  }
0x51: {  	s23 =	sadd.s32 $0x200, s23;
	v13 =	vsub.f32 v13, v7;
	v11 =	vld [tilespmem:s24+$0x4260];
	[tilespmem:s22+$0x4270] =	vst v16;
	s22 =	smov.u32 s24  }
0x52: {  	[tilespmem:s22+$0x4200] =	vst v14;
	v12 =	vsub.f32 v12, v5;
	v14 =	vld [tilespmem:s22+$0x4270]  }
0x53: {  	[tilespmem:s22+$0x4210] =	vst v13;
	v10 =	vsub.f32 v10, v4  }
0x54: {  	[tilespmem:s22+$0x4220] =	vst v12;
	v8 =	vsub.f32 v8, v3  }
0x55: {  	[tilespmem:s22+$0x4230] =	vst v10;
	v9 =	vsub.f32 v9, v2  }
0x56: {  	[tilespmem:s22+$0x4240] =	vst v8;
	v8 =	vsub.f32 v11, v1  }
0x57: {  	[tilespmem:s22+$0x4250] =	vst v9;
	v9 =	vsub.f32 v14, v0  }
0x58: {  	[tilespmem:s22+$0x4260] =	vst v8  }
0x59: {  	[tilespmem:s22+$0x4270] =	vst v9  }
0x5a: {  	_ =	swait.ge [sflag:s19], $0x4000  }
0x5b: {  	[sflag:s19] =	ssyncset.done $0x0  }
0x5c: {  	s22 =	simm.s32 $0x0;
	[sflag:s19] =	ssyncadd.s32 $0xFFFFC000  }
0x5d: {  	v11 =	vld [tilespmem:s22+$0x8200]  }
0x5e: {  	v13 =	vld [tilespmem:s22+$0x8210]  }
0x5f: {  	v12 =	vld [tilespmem:s22+$0x8220]  }
0x60: {  	v10 =	vld [tilespmem:s22+$0x8230]  }
0x61: {  	v8 =	vld [tilespmem:s22+$0x8240]  }
0x62: {  	v9 =	vld [tilespmem:s22+$0x8250];
	v14 =	vsub.f32 v11, v6  }
0x63: {  	s23 =	simm.s32 $0x200;
	v13 =	vsub.f32 v13, v7;
	v11 =	vld [tilespmem:s22+$0x8260]  }
.LBB2_6:
0x64: {  	s24 =	sshra.s32 s23, $0x2;
	p0 =	sne.s32 s23, $0xFE00;
	[tilespmem:s22+$0x8200] =	vst v14;
	v12 =	vsub.f32 v12, v5;
	v14 =	vld [tilespmem:s22+$0x8270]  }
0x65: {  	v15 =	vld [tilespmem:s24+$0x8200];
	[tilespmem:s22+$0x8210] =	vst v13;
	v10 =	vsub.f32 v10, v4  }
0x66: {  	v13 =	vld [tilespmem:s24+$0x8210];
	[tilespmem:s22+$0x8220] =	vst v12;
	v8 =	vsub.f32 v8, v3  }
.Ltmp2:
0x67: {  	v12 =	vld [tilespmem:s24+$0x8220];
	[tilespmem:s22+$0x8230] =	vst v10;
	v9 =	vsub.f32 v9, v2;
	(pc) =	sbr.rel @p0 .LBB2_6-.Ltmp2, $4  }
0x68: {  	v10 =	vld [tilespmem:s24+$0x8230];
	[tilespmem:s22+$0x8240] =	vst v8;
	v11 =	vsub.f32 v11, v1  }
0x69: {  	v8 =	vld [tilespmem:s24+$0x8240];
	[tilespmem:s22+$0x8250] =	vst v9;
	v16 =	vsub.f32 v14, v0  }
0x6a: {  	v14 =	vsub.f32 v15, v6;
	v9 =	vld [tilespmem:s24+$0x8250];
	[tilespmem:s22+$0x8260] =	vst v11  }
0x6b: {  	s23 =	sadd.s32 $0x200, s23;
	v13 =	vsub.f32 v13, v7;
	v11 =	vld [tilespmem:s24+$0x8260];
	[tilespmem:s22+$0x8270] =	vst v16;
	s22 =	smov.u32 s24  }
0x6c: {  	[tilespmem:s22+$0x8200] =	vst v14;
	v12 =	vsub.f32 v12, v5;
	v14 =	vld [tilespmem:s22+$0x8270]  }
0x6d: {  	[tilespmem:s22+$0x8210] =	vst v13;
	v10 =	vsub.f32 v10, v4  }
0x6e: {  	[tilespmem:s22+$0x8220] =	vst v12;
	v8 =	vsub.f32 v8, v3  }
0x6f: {  	[tilespmem:s22+$0x8230] =	vst v10;
	v9 =	vsub.f32 v9, v2  }
0x70: {  	[tilespmem:s22+$0x8240] =	vst v8;
	v8 =	vsub.f32 v11, v1  }
0x71: {  	[tilespmem:s22+$0x8250] =	vst v9;
	v9 =	vsub.f32 v14, v0  }
0x72: {  	[tilespmem:s22+$0x8260] =	vst v8  }
0x73: {  	[tilespmem:s22+$0x8270] =	vst v9  }
0x74: {  	_ =	swait.ge [sflag:s20], $0x4000  }
0x75: {  	[sflag:s20] =	ssyncset.done $0x0  }
0x76: {  	s22 =	simm.s32 $0x0;
	[sflag:s20] =	ssyncadd.s32 $0xFFFFC000  }
0x77: {  	v11 =	vld [tilespmem:s22+$0xC200]  }
0x78: {  	v13 =	vld [tilespmem:s22+$0xC210]  }
0x79: {  	v12 =	vld [tilespmem:s22+$0xC220]  }
0x7a: {  	v10 =	vld [tilespmem:s22+$0xC230]  }
0x7b: {  	v8 =	vld [tilespmem:s22+$0xC240]  }
0x7c: {  	v9 =	vld [tilespmem:s22+$0xC250];
	v14 =	vsub.f32 v11, v6  }
0x7d: {  	s23 =	simm.s32 $0x200;
	v13 =	vsub.f32 v13, v7;
	v11 =	vld [tilespmem:s22+$0xC260]  }
.LBB2_8:
0x7e: {  	s24 =	sshra.s32 s23, $0x2;
	p0 =	sne.s32 s23, $0xFE00;
	[tilespmem:s22+$0xC200] =	vst v14;
	v12 =	vsub.f32 v12, v5;
	v14 =	vld [tilespmem:s22+$0xC270]  }
0x7f: {  	v15 =	vld [tilespmem:s24+$0xC200];
	[tilespmem:s22+$0xC210] =	vst v13;
	v10 =	vsub.f32 v10, v4  }
0x80: {  	v13 =	vld [tilespmem:s24+$0xC210];
	[tilespmem:s22+$0xC220] =	vst v12;
	v8 =	vsub.f32 v8, v3  }
.Ltmp3:
0x81: {  	v12 =	vld [tilespmem:s24+$0xC220];
	[tilespmem:s22+$0xC230] =	vst v10;
	v9 =	vsub.f32 v9, v2;
	(pc) =	sbr.rel @p0 .LBB2_8-.Ltmp3, $4  }
0x82: {  	v10 =	vld [tilespmem:s24+$0xC230];
	[tilespmem:s22+$0xC240] =	vst v8;
	v11 =	vsub.f32 v11, v1  }
0x83: {  	v8 =	vld [tilespmem:s24+$0xC240];
	[tilespmem:s22+$0xC250] =	vst v9;
	v16 =	vsub.f32 v14, v0  }
0x84: {  	v14 =	vsub.f32 v15, v6;
	v9 =	vld [tilespmem:s24+$0xC250];
	[tilespmem:s22+$0xC260] =	vst v11  }
0x85: {  	s23 =	sadd.s32 $0x200, s23;
	v13 =	vsub.f32 v13, v7;
	v11 =	vld [tilespmem:s24+$0xC260];
	[tilespmem:s22+$0xC270] =	vst v16;
	s22 =	smov.u32 s24  }
0x86: {  	[tilespmem:s22+$0xC200] =	vst v14;
	v5 =	vsub.f32 v12, v5;
	v6 =	vld [tilespmem:s22+$0xC270]  }
0x87: {  	[tilespmem:s22+$0xC210] =	vst v13;
	v4 =	vsub.f32 v10, v4  }
0x88: {  	[tilespmem:s22+$0xC220] =	vst v5;
	v3 =	vsub.f32 v8, v3  }
0x89: {  	[tilespmem:s22+$0xC230] =	vst v4;
	v2 =	vsub.f32 v9, v2  }
0x8a: {  	[tilespmem:s22+$0xC240] =	vst v3;
	v1 =	vsub.f32 v11, v1  }
0x8b: {  	s21 =	sadd.s32 $0x1, s21;
	[tilespmem:s22+$0xC250] =	vst v2;
	v0 =	vsub.f32 v6, v0  }
0x8c: {  	p0 =	sne.s32 s21, s7;
	[tilespmem:s22+$0xC260] =	vst v1  }
.Ltmp4:
0x8d: {  	[tilespmem:s22+$0xC270] =	vst v0;
	(pc) =	sbr.rel @p0 .LBB2_1-.Ltmp4, $4  }
0x8e: {  	[hbm4b:s6+s2] =	stream.linear.scatter [tilespmem:s11], [sflag:$0x5], $0x10000, $0x38;
	[tilespmem:$0x10280] =	vst v63  }
0x8f: {  	_ =	swait.ge [sflag:s8], $0x10000  }
0x90: {  	[sflag:s8] =	ssyncset.done $0x0  }
0x91: {  	[sflag:s8] =	ssyncadd.s32 $0xFFFF0000  }
0x92: {  	_ =	sfence.sel $0x180000  }
0x93: {  	[bflag:$0x0] =	sbarrier.arrive $0xFFFF  }
0x94: {  	p0 =	sne.s32 s1, $0x0;
	_ =	strace $0x90000047  }
0x95: {  	s0 =	sadd.s32 @!p0 $0x100000, s0;
	[bflag:$0x2] =	sbarrier.arrive $0xFFFF  }
0x96: {  	[sflag:s0] =	ssyncadd.tile.s32 @!p0 $0x1;
	_ =	shalt  }
.Lfunc_end2:
_tile_overlayer_lowered:
.L_overlay_start_2:
0x97: {  	(tag) =	ssettag $0x2  }
0x98: {  	s0 =	rddreg [dreg:$0x0];
	s2 =	stileid.u32  }
0x99: {  	s1 =	rddreg [dreg:$0x1];
	p0 =	sne.s32 s2, $0x0  }
0x9a: {  	s3 =	rddreg [dreg:$0x2];
	[bflag:$0x3] =	sbarrier.arrive $0xFFFF;
	s2 =	simm.s32 @!p0 $0x1C05  }
0x9b: {  	[timem:s3], [sflag:s2] =	dma.local @!p0 [hbm:s0], s1  }
0x9c: {  	s0 =	simm.s32 @!p0 $0x5  }
0x9d: {  	_ =	swait.ge @!p0 [sflag:s0], s1  }
0x9e: {  	s1 =	ssub.s32 @!p0 $0x0, s1;
	[sflag:s0] =	ssyncset.done @!p0 $0x0  }
0x9f: {  	[sflag:s0] =	ssyncadd.s32 @!p0 s1  }
0xa0: {  	[bflag:$0x3] =	sbarrier.arrive $0xFFFF  }
0xa1: {  	_ =	shalt  }

</sc_bundles>
